<compile_context>
chip_gen: v7x
topology: tpu7x:2x2x1
jax: 0.10.2.dev20260603
libtpu: 0.0.44.dev20260713+nightly
codegen_flags: <defaults>
</compile_context>

<pallas_src>
import functools

import jax
import jax.numpy as jnp
from jax import lax
from jax.experimental import pallas as pl
from jax.experimental.pallas import tpu as pltpu
from jax.experimental.pallas import tpu_sc as plsc

N_NODES = 10000
D = 128
HD = D // 2
E = 320000
NC = 2
NS = 16
GE = 320
NG = 64
EPW = NG * GE
EPW_REAL = E // NS
NPAD = EPW - EPW_REAL
ACC_PAD = 16
ACC_ROWS = N_NODES + ACC_PAD
SPAN = 624

_mesh = plsc.VectorSubcoreMesh(core_axis_name="c", subcore_axis_name="s")


@functools.partial(
    pl.kernel,
    mesh=_mesh,
    out_type=jax.ShapeDtypeStruct((NC, N_NODES, HD), jnp.float32),
    scratch_types=[
        pltpu.VMEM((EPW,), jnp.int32),
        pltpu.VMEM((EPW,), jnp.int32),
        pltpu.VMEM((GE, HD), jnp.float32),
        pltpu.VMEM((GE, HD), jnp.float32),
        pltpu.VMEM_SHARED((ACC_ROWS, HD), jnp.float32),
        pltpu.SemaphoreType.DMA,
        pltpu.SemaphoreType.DMA,
    ],
    compiler_params=pltpu.CompilerParams(use_tc_tiling_on_sc=False),
)
def _sc_aggregate(edge_hbm, feat_hbm, out_hbm,
                  src_v, dst_v, buf_a, buf_b, acc, sem_a, sem_b):
    c = lax.axis_index("c")
    s = lax.axis_index("s")

    ebase = s * EPW_REAL
    pltpu.async_copy(edge_hbm.at[0].at[pl.ds(ebase, EPW_REAL)],
                     src_v.at[pl.ds(0, EPW_REAL)], sem_a)
    pltpu.async_copy(edge_hbm.at[1].at[pl.ds(ebase, EPW_REAL)],
                     dst_v.at[pl.ds(0, EPW_REAL)], sem_b)

    zero16 = jnp.zeros((16,), jnp.float32)

    def _zbody(i, carry):
        buf_a[i // (HD // 16), pl.ds((i % (HD // 16)) * 16, 16)] = zero16
        return carry

    lax.fori_loop(0, (128 * HD) // 16, _zbody, 0)

    zpage = buf_a.at[pl.ds(0, 128)]
    zbase = s * SPAN
    pltpu.sync_copy(zpage, acc.at[pl.ds(zbase, 128)])
    pltpu.sync_copy(zpage, acc.at[pl.ds(zbase + 128, 128)])
    pltpu.sync_copy(zpage, acc.at[pl.ds(zbase + 2 * 128, 128)])
    pltpu.sync_copy(zpage, acc.at[pl.ds(zbase + 3 * 128, 128)])
    pltpu.sync_copy(zpage.at[pl.ds(0, SPAN - 4 * 128)],
                    acc.at[pl.ds(zbase + 4 * 128, SPAN - 4 * 128)])

    @pl.when(s == NS - 1)
    def _ztail():
        pltpu.sync_copy(zpage.at[pl.ds(0, ACC_ROWS - NS * SPAN)],
                        acc.at[pl.ds(NS * SPAN, ACC_ROWS - NS * SPAN)])

    plsc.subcore_barrier()

    pltpu.make_async_copy(edge_hbm.at[0].at[pl.ds(ebase, EPW_REAL)],
                          src_v.at[pl.ds(0, EPW_REAL)], sem_a).wait()
    pltpu.make_async_copy(edge_hbm.at[1].at[pl.ds(ebase, EPW_REAL)],
                          dst_v.at[pl.ds(0, EPW_REAL)], sem_b).wait()

    iota16 = lax.iota(jnp.int32, 16)
    src_pad = iota16 + s * 97
    dst_pad = iota16 + jnp.int32(N_NODES)

    def _pbody(i, carry):
        src_v[pl.ds(EPW_REAL + i * 16, 16)] = src_pad
        dst_v[pl.ds(EPW_REAL + i * 16, 16)] = dst_pad
        return carry

    lax.fori_loop(0, NPAD // 16, _pbody, 0)

    feat_c = feat_hbm.at[c]

    def _sidx(g):
        return src_v.at[pl.ds(g * GE, GE)]

    def _didx(g):
        return dst_v.at[pl.ds(g * GE, GE)]

    pltpu.async_copy(feat_c.at[_sidx(0)], buf_a, sem_a)

    def _body(jj, carry):
        g0 = 2 * jj
        pltpu.async_copy(feat_c.at[_sidx(g0 + 1)], buf_b, sem_b)
        pltpu.make_async_copy(feat_c.at[_sidx(g0)], buf_a, sem_a).wait()
        pltpu.sync_copy(buf_a, acc.at[_didx(g0)], add=True)

        @pl.when(jj < NG // 2 - 1)
        def _():
            pltpu.async_copy(feat_c.at[_sidx(g0 + 2)], buf_a, sem_a)

        pltpu.make_async_copy(feat_c.at[_sidx(g0 + 1)], buf_b, sem_b).wait()
        pltpu.sync_copy(buf_b, acc.at[_didx(g0 + 1)], add=True)
        return carry

    lax.fori_loop(0, NG // 2, _body, 0)

    plsc.subcore_barrier()

    obase = s * SPAN
    pltpu.sync_copy(acc.at[pl.ds(obase, SPAN)],
                    out_hbm.at[c].at[pl.ds(obase, SPAN)])

    @pl.when(s == NS - 1)
    def _otail():
        pltpu.sync_copy(acc.at[pl.ds(NS * SPAN, N_NODES - NS * SPAN)],
                        out_hbm.at[c].at[pl.ds(NS * SPAN, N_NODES - NS * SPAN)])


BLK = 1000


def _tc_body(p_ref, wt_ref, b_ref, o_ref):
    agg = jnp.concatenate([p_ref[0], p_ref[1]], axis=-1)
    o_ref[...] = (
        jnp.dot(agg, wt_ref[...], preferred_element_type=jnp.float32,
                precision=lax.Precision.HIGHEST)
        + b_ref[...]
    )


def _tc_linear(partials, wt, b2):
    return pl.pallas_call(
        _tc_body,
        grid=(N_NODES // BLK,),
        in_specs=[
            pl.BlockSpec((NC, BLK, HD), lambda i: (0, i, 0)),
            pl.BlockSpec((D, D), lambda i: (0, 0)),
            pl.BlockSpec((1, D), lambda i: (0, 0)),
        ],
        out_specs=pl.BlockSpec((BLK, D), lambda i: (i, 0)),
        out_shape=jax.ShapeDtypeStruct((N_NODES, D), jnp.float32),
        compiler_params=pltpu.CompilerParams(
            allow_input_fusion=[True, False, False]),
    )(partials, wt, b2)


def kernel(feat, edge_index, W, b):
    edges = edge_index.astype(jnp.int32)
    feat_halves = jnp.stack([feat[:, :HD], feat[:, HD:]])
    partials = _sc_aggregate(edges, feat_halves)
    return _tc_linear(partials, W.T, b.reshape(1, D))

# --- scband reference (transcript-rebuilt; emitter-appended) ---
"""Pipeline reference for scband-gnnlayer-16707422781831 (READ-ONLY COPY).

The authoritative reference and input builder live on the scoring server;
editing this copy changes nothing except your own understanding.
"""

import jax, jax.numpy as jnp
import numpy as np

N_NODES = 10000
N_EDGES = 320000
IN_DIM = 128
OUT_DIM = 128

def setup_inputs(seed: int = 0) -> dict:
    key = jax.random.key(seed)
    k_feat, k_edge, k_w, k_b = jax.random.split(key, 4)
    feat = jax.random.normal(k_feat, (N_NODES, IN_DIM), dtype=jnp.float32)
    edge_index = jax.random.randint(k_edge, (2, N_EDGES), 0, N_NODES, dtype=jnp.int64)
    # nn.Linear weight initialized with normal(mean=0, std=0.1) per the module __init__
    W = jax.random.normal(k_w, (OUT_DIM, IN_DIM), dtype=jnp.float32) * 0.1
    b = jax.random.normal(k_b, (OUT_DIM,), dtype=jnp.float32) * 0.01
    return {"feat": feat, "edge_index": edge_index, "W": W, "b": b}

def reference(feat, edge_index, W, b):
    # DGL update_all(copy_u('h','m'), sum('m','h')):
    # each edge copies source-node feature, destination sums incoming messages.
    src = edge_index[0]
    dst = edge_index[1]
    messages = jnp.take(feat, src, axis=0)            # gather: [E, in_dim]
    agg = jax.ops.segment_sum(messages, dst, num_segments=N_NODES)  # scatter-add: [N, in_dim]
    # Linear layer: h @ W^T + b
    out = agg @ W.T + b
    return out

if __name__ == "__main__":
    import jax
    _d = setup_inputs()
    print(jax.jit(kernel)(*tuple(_d.values())))

</pallas_src>

<mosaic_0001>
#map = affine_map<(d0, d1) -> (0, 0)>
#map1 = affine_map<(d0, d1) -> (0, 0, 0)>
module attributes {stable_mosaic.version = 14 : i64} {
  func.func @_sc_aggregate(%arg0: i32, %arg1: i32, %arg2: memref<2x320000xi32, #tpu.memory_space<hbm>>, %arg3: memref<2x10000x64xf32, #tpu.memory_space<hbm>>, %arg4: memref<2x10000x64xf32, #tpu.memory_space<hbm>>, %arg5: memref<20480xi32, #tpu.memory_space<vmem>>, %arg6: memref<20480xi32, #tpu.memory_space<vmem>>, %arg7: memref<320x64xf32, #tpu.memory_space<vmem>>, %arg8: memref<320x64xf32, #tpu.memory_space<vmem>>, %arg9: memref<10016x64xf32, #tpu.memory_space<vmem_shared>>, %arg10: memref<!tpu.dma_semaphore, #tpu.memory_space<semaphore_mem>>, %arg11: memref<!tpu.dma_semaphore, #tpu.memory_space<semaphore_mem>>) attributes {dimension_semantics = [#tpu.dimension_semantics<core_parallel>, #tpu.dimension_semantics<subcore_parallel>], iteration_bounds = array<i64: 2, 16>, scalar_prefetch = 0 : i64, scratch_operands = 7 : i64, tpu.core_type = #tpu.core_type<sc_vector_subcore>, window_params = [{transform_indices = #map}, {transform_indices = #map1}, {transform_indices = #map1}]} {
    %mul3A = arith.constant 20000 : i32
    %mul3A_0 = arith.muli %arg1, %mul3A : i32
    %dma_start3A = arith.constant 0 : i32
    %dma_start3A_1 = arith.constant 0 : i32
    %dma_start3A_2 = tpu.memref_slice %arg5[%dma_start3A_1] : memref<20480xi32, #tpu.memory_space<vmem>> -> memref<20000xi32, #tpu.memory_space<vmem>>
    %dma_start3A_3 = arith.constant 0 : i32
    %dma_start3A_4 = tpu.memref_slice %arg2[%dma_start3A, %dma_start3A_3] : memref<2x320000xi32, #tpu.memory_space<hbm>> -> memref<1x320000xi32, #tpu.memory_space<hbm>>
    %dma_start3A_5 = tpu.memref_squeeze %dma_start3A_4 : memref<1x320000xi32, #tpu.memory_space<hbm>> -> memref<320000xi32, #tpu.memory_space<hbm>>
    %dma_start3A_6 = tpu.memref_slice %dma_start3A_5[%mul3A_0] : memref<320000xi32, #tpu.memory_space<hbm>> -> memref<20000xi32, #tpu.memory_space<hbm>>
    %dma_start3A_7 = arith.constant 0 : i32
    %dma_start3A_8 = tpu.memref_slice %arg5[%dma_start3A_7] : memref<20480xi32, #tpu.memory_space<vmem>> -> memref<20000xi32, #tpu.memory_space<vmem>>
    %dma_start3A_9 = arith.constant 0 : i32
    %dma_start3A_10 = tpu.memref_slice %arg2[%dma_start3A, %dma_start3A_9] : memref<2x320000xi32, #tpu.memory_space<hbm>> -> memref<1x320000xi32, #tpu.memory_space<hbm>>
    %dma_start3A_11 = tpu.memref_squeeze %dma_start3A_10 : memref<1x320000xi32, #tpu.memory_space<hbm>> -> memref<320000xi32, #tpu.memory_space<hbm>>
    %dma_start3A_12 = tpu.memref_slice %dma_start3A_11[%mul3A_0] : memref<320000xi32, #tpu.memory_space<hbm>> -> memref<20000xi32, #tpu.memory_space<hbm>>
    tpu.enqueue_dma source(%dma_start3A_12 : memref<20000xi32, #tpu.memory_space<hbm>>) target(%dma_start3A_8 : memref<20000xi32, #tpu.memory_space<vmem>>) target_semaphore(%arg10 : memref<!tpu.dma_semaphore, #tpu.memory_space<semaphore_mem>>)
    %dma_start3A_13 = arith.constant 1 : i32
    %dma_start3A_14 = arith.constant 0 : i32
    %dma_start3A_15 = tpu.memref_slice %arg6[%dma_start3A_14] : memref<20480xi32, #tpu.memory_space<vmem>> -> memref<20000xi32, #tpu.memory_space<vmem>>
    %dma_start3A_16 = arith.constant 0 : i32
    %dma_start3A_17 = tpu.memref_slice %arg2[%dma_start3A_13, %dma_start3A_16] : memref<2x320000xi32, #tpu.memory_space<hbm>> -> memref<1x320000xi32, #tpu.memory_space<hbm>>
    %dma_start3A_18 = tpu.memref_squeeze %dma_start3A_17 : memref<1x320000xi32, #tpu.memory_space<hbm>> -> memref<320000xi32, #tpu.memory_space<hbm>>
    %dma_start3A_19 = tpu.memref_slice %dma_start3A_18[%mul3A_0] : memref<320000xi32, #tpu.memory_space<hbm>> -> memref<20000xi32, #tpu.memory_space<hbm>>
    %dma_start3A_20 = arith.constant 0 : i32
    %dma_start3A_21 = tpu.memref_slice %arg6[%dma_start3A_20] : memref<20480xi32, #tpu.memory_space<vmem>> -> memref<20000xi32, #tpu.memory_space<vmem>>
    %dma_start3A_22 = arith.constant 0 : i32
    %dma_start3A_23 = tpu.memref_slice %arg2[%dma_start3A_13, %dma_start3A_22] : memref<2x320000xi32, #tpu.memory_space<hbm>> -> memref<1x320000xi32, #tpu.memory_space<hbm>>
    %dma_start3A_24 = tpu.memref_squeeze %dma_start3A_23 : memref<1x320000xi32, #tpu.memory_space<hbm>> -> memref<320000xi32, #tpu.memory_space<hbm>>
    %dma_start3A_25 = tpu.memref_slice %dma_start3A_24[%mul3A_0] : memref<320000xi32, #tpu.memory_space<hbm>> -> memref<20000xi32, #tpu.memory_space<hbm>>
    tpu.enqueue_dma source(%dma_start3A_25 : memref<20000xi32, #tpu.memory_space<hbm>>) target(%dma_start3A_21 : memref<20000xi32, #tpu.memory_space<vmem>>) target_semaphore(%arg11 : memref<!tpu.dma_semaphore, #tpu.memory_space<semaphore_mem>>)
    %broadcast_in_dim3A = arith.constant 0.000000e+00 : f32
    %broadcast_in_dim3A_26 = vector.broadcast %broadcast_in_dim3A : f32 to vector<16xf32>
    %scan3A = arith.constant 0 : i32
    %scan3A_27 = arith.constant 0 : i32
    %scan3A_28 = arith.constant 512 : i32
    %scan3A_29 = arith.addi %scan3A_27, %scan3A_28 : i32
    %scan3A_30 = arith.constant 1 : i32
    scf.for %scan3A_104 = %scan3A_27 to %scan3A_29 step %scan3A_30  : i32 {
      %jit3A = arith.constant 4 : i32
      %div3A = arith.divsi %scan3A_104, %jit3A : i32
      %sign3A = arith.constant 0 : i32
      %sign3A_105 = arith.cmpi sgt, %scan3A_104, %sign3A : i32
      %sign3A_106 = arith.extui %sign3A_105 : i1 to i32
      %sign3A_107 = arith.constant 0 : i32
      %sign3A_108 = arith.cmpi slt, %scan3A_104, %sign3A_107 : i32
      %sign3A_109 = arith.extui %sign3A_108 : i1 to i32
      %sign3A_110 = arith.subi %sign3A_106, %sign3A_109 : i32
      %sign3A_111 = arith.constant 0 : i32
      %sign3A_112 = arith.cmpi sgt, %jit3A, %sign3A_111 : i32
      %sign3A_113 = arith.extui %sign3A_112 : i1 to i32
      %sign3A_114 = arith.constant 0 : i32
      %sign3A_115 = arith.cmpi slt, %jit3A, %sign3A_114 : i32
      %sign3A_116 = arith.extui %sign3A_115 : i1 to i32
      %sign3A_117 = arith.subi %sign3A_113, %sign3A_116 : i32
      %ne3A = arith.cmpi ne, %sign3A_110, %sign3A_117 : i32
      %rem3A = arith.remsi %scan3A_104, %jit3A : i32
      %ne3A_118 = arith.constant 0 : i32
      %ne3A_119 = arith.cmpi ne, %rem3A, %ne3A_118 : i32
      %and3A = arith.andi %ne3A, %ne3A_119 : i1
      %sub3A = arith.constant 1 : i32
      %sub3A_120 = arith.subi %div3A, %sub3A : i32
      %select_n3A = arith.select %and3A, %sub3A_120, %div3A : i32
      %jit3A_121 = arith.constant 4 : i32
      %eq3A_122 = arith.constant 0 : i32
      %eq3A_123 = arith.cmpi eq, %jit3A_121, %eq3A_122 : i32
      %jit3A_124 = arith.constant 1 : i32
      %select_n3A_125 = arith.select %eq3A_123, %jit3A_124, %jit3A_121 : i32
      %rem3A_126 = arith.remsi %scan3A_104, %select_n3A_125 : i32
      %ne3A_127 = arith.constant 0 : i32
      %ne3A_128 = arith.cmpi ne, %rem3A_126, %ne3A_127 : i32
      %lt3A = arith.constant 0 : i32
      %lt3A_129 = arith.cmpi slt, %rem3A_126, %lt3A : i32
      %lt3A_130 = arith.constant 0 : i32
      %lt3A_131 = arith.cmpi slt, %select_n3A_125, %lt3A_130 : i32
      %ne3A_132 = arith.xori %lt3A_129, %lt3A_131 : i1
      %and3A_133 = arith.andi %ne3A_132, %ne3A_128 : i1
      %add3A_134 = arith.addi %rem3A_126, %select_n3A_125 : i32
      %select_n3A_135 = arith.select %and3A_133, %add3A_134, %rem3A_126 : i32
      %mul3A_136 = arith.constant 16 : i32
      %mul3A_137 = arith.muli %select_n3A_135, %mul3A_136 : i32
      %swap3A = arith.index_cast %select_n3A : i32 to index
      %swap3A_138 = arith.index_cast %mul3A_137 : i32 to index
      %swap3A_139 = tpu.vector_load %arg7[%swap3A, %swap3A_138] {strides = array<i32>} : memref<320x64xf32, #tpu.memory_space<vmem>>, vector<1x16xf32>,
      %swap3A_140 = vector.shape_cast %swap3A_139 : vector<1x16xf32> to vector<16xf32>
      %swap3A_141 = vector.shape_cast %broadcast_in_dim3A_26 : vector<16xf32> to vector<1x16xf32>
      tpu.vector_store %arg7[%swap3A, %swap3A_138], %swap3A_141 {strides = array<i32>} : memref<320x64xf32, #tpu.memory_space<vmem>>, vector<1x16xf32>,
    }
    %scan3A_31 = arith.constant 512 : i32
    %mul3A_32 = arith.constant 624 : i32
    %mul3A_33 = arith.muli %arg1, %mul3A_32 : i32
    "tpu.region"() ({
      %run_scoped3A = tpu.sem_alloc : memref<!tpu.dma_semaphore, #tpu.memory_space<semaphore_mem>>
      %dma_start3A_104 = arith.constant 0 : i32
      %dma_start3A_105 = arith.constant 0 : i32
      %dma_start3A_106 = tpu.memref_slice %arg7[%dma_start3A_104, %dma_start3A_105] : memref<320x64xf32, #tpu.memory_space<vmem>> -> memref<128x64xf32, #tpu.memory_space<vmem>>
      %dma_start3A_107 = arith.constant 0 : i32
      %dma_start3A_108 = tpu.memref_slice %arg9[%mul3A_33, %dma_start3A_107] : memref<10016x64xf32, #tpu.memory_space<vmem_shared>> -> memref<128x64xf32, #tpu.memory_space<vmem_shared>>
      %dma_start3A_109 = arith.constant 0 : i32
      %dma_start3A_110 = tpu.memref_slice %arg9[%mul3A_33, %dma_start3A_109] : memref<10016x64xf32, #tpu.memory_space<vmem_shared>> -> memref<128x64xf32, #tpu.memory_space<vmem_shared>>
      %dma_start3A_111 = arith.constant 0 : i32
      %dma_start3A_112 = arith.constant 0 : i32
      %dma_start3A_113 = tpu.memref_slice %arg7[%dma_start3A_111, %dma_start3A_112] : memref<320x64xf32, #tpu.memory_space<vmem>> -> memref<128x64xf32, #tpu.memory_space<vmem>>
      tpu.enqueue_dma source(%dma_start3A_113 : memref<128x64xf32, #tpu.memory_space<vmem>>) target(%dma_start3A_110 : memref<128x64xf32, #tpu.memory_space<vmem_shared>>) target_semaphore(%run_scoped3A : memref<!tpu.dma_semaphore, #tpu.memory_space<semaphore_mem>>)
      %dma_wait3A_114 = arith.constant 0 : i32
      %dma_wait3A_115 = arith.constant 0 : i32
      %dma_wait3A_116 = tpu.memref_slice %arg7[%dma_wait3A_114, %dma_wait3A_115] : memref<320x64xf32, #tpu.memory_space<vmem>> -> memref<128x64xf32, #tpu.memory_space<vmem>>
      %dma_wait3A_117 = arith.constant 0 : i32
      %dma_wait3A_118 = tpu.memref_slice %arg9[%mul3A_33, %dma_wait3A_117] : memref<10016x64xf32, #tpu.memory_space<vmem_shared>> -> memref<128x64xf32, #tpu.memory_space<vmem_shared>>
      %dma_wait3A_119 = arith.constant 0 : i32
      %dma_wait3A_120 = tpu.memref_slice %arg9[%mul3A_33, %dma_wait3A_119] : memref<10016x64xf32, #tpu.memory_space<vmem_shared>> -> memref<128x64xf32, #tpu.memory_space<vmem_shared>>
      %dma_wait3A_121 = arith.constant 0 : i32
      %dma_wait3A_122 = arith.constant 0 : i32
      %dma_wait3A_123 = tpu.memref_slice %arg7[%dma_wait3A_121, %dma_wait3A_122] : memref<320x64xf32, #tpu.memory_space<vmem>> -> memref<128x64xf32, #tpu.memory_space<vmem>>
      tpu.wait_dma2 semaphore(%run_scoped3A : memref<!tpu.dma_semaphore, #tpu.memory_space<semaphore_mem>>) src(%dma_wait3A_123 : memref<128x64xf32, #tpu.memory_space<vmem>>) dst(%dma_wait3A_120 : memref<128x64xf32, #tpu.memory_space<vmem_shared>>)
      tpu.yield
    }) : () -> ()
    %add3A = arith.constant 128 : i32
    %add3A_34 = arith.addi %mul3A_33, %add3A : i32
    "tpu.region"() ({
      %run_scoped3A = tpu.sem_alloc : memref<!tpu.dma_semaphore, #tpu.memory_space<semaphore_mem>>
      %dma_start3A_104 = arith.constant 0 : i32
      %dma_start3A_105 = arith.constant 0 : i32
      %dma_start3A_106 = tpu.memref_slice %arg7[%dma_start3A_104, %dma_start3A_105] : memref<320x64xf32, #tpu.memory_space<vmem>> -> memref<128x64xf32, #tpu.memory_space<vmem>>
      %dma_start3A_107 = arith.constant 0 : i32
      %dma_start3A_108 = tpu.memref_slice %arg9[%add3A_34, %dma_start3A_107] : memref<10016x64xf32, #tpu.memory_space<vmem_shared>> -> memref<128x64xf32, #tpu.memory_space<vmem_shared>>
      %dma_start3A_109 = arith.constant 0 : i32
      %dma_start3A_110 = tpu.memref_slice %arg9[%add3A_34, %dma_start3A_109] : memref<10016x64xf32, #tpu.memory_space<vmem_shared>> -> memref<128x64xf32, #tpu.memory_space<vmem_shared>>
      %dma_start3A_111 = arith.constant 0 : i32
      %dma_start3A_112 = arith.constant 0 : i32
      %dma_start3A_113 = tpu.memref_slice %arg7[%dma_start3A_111, %dma_start3A_112] : memref<320x64xf32, #tpu.memory_space<vmem>> -> memref<128x64xf32, #tpu.memory_space<vmem>>
      tpu.enqueue_dma source(%dma_start3A_113 : memref<128x64xf32, #tpu.memory_space<vmem>>) target(%dma_start3A_110 : memref<128x64xf32, #tpu.memory_space<vmem_shared>>) target_semaphore(%run_scoped3A : memref<!tpu.dma_semaphore, #tpu.memory_space<semaphore_mem>>)
      %dma_wait3A_114 = arith.constant 0 : i32
      %dma_wait3A_115 = arith.constant 0 : i32
      %dma_wait3A_116 = tpu.memref_slice %arg7[%dma_wait3A_114, %dma_wait3A_115] : memref<320x64xf32, #tpu.memory_space<vmem>> -> memref<128x64xf32, #tpu.memory_space<vmem>>
      %dma_wait3A_117 = arith.constant 0 : i32
      %dma_wait3A_118 = tpu.memref_slice %arg9[%add3A_34, %dma_wait3A_117] : memref<10016x64xf32, #tpu.memory_space<vmem_shared>> -> memref<128x64xf32, #tpu.memory_space<vmem_shared>>
      %dma_wait3A_119 = arith.constant 0 : i32
      %dma_wait3A_120 = tpu.memref_slice %arg9[%add3A_34, %dma_wait3A_119] : memref<10016x64xf32, #tpu.memory_space<vmem_shared>> -> memref<128x64xf32, #tpu.memory_space<vmem_shared>>
      %dma_wait3A_121 = arith.constant 0 : i32
      %dma_wait3A_122 = arith.constant 0 : i32
      %dma_wait3A_123 = tpu.memref_slice %arg7[%dma_wait3A_121, %dma_wait3A_122] : memref<320x64xf32, #tpu.memory_space<vmem>> -> memref<128x64xf32, #tpu.memory_space<vmem>>
      tpu.wait_dma2 semaphore(%run_scoped3A : memref<!tpu.dma_semaphore, #tpu.memory_space<semaphore_mem>>) src(%dma_wait3A_123 : memref<128x64xf32, #tpu.memory_space<vmem>>) dst(%dma_wait3A_120 : memref<128x64xf32, #tpu.memory_space<vmem_shared>>)
      tpu.yield
    }) : () -> ()
    %add3A_35 = arith.constant 256 : i32
    %add3A_36 = arith.addi %mul3A_33, %add3A_35 : i32
    "tpu.region"() ({
      %run_scoped3A = tpu.sem_alloc : memref<!tpu.dma_semaphore, #tpu.memory_space<semaphore_mem>>
      %dma_start3A_104 = arith.constant 0 : i32
      %dma_start3A_105 = arith.constant 0 : i32
      %dma_start3A_106 = tpu.memref_slice %arg7[%dma_start3A_104, %dma_start3A_105] : memref<320x64xf32, #tpu.memory_space<vmem>> -> memref<128x64xf32, #tpu.memory_space<vmem>>
      %dma_start3A_107 = arith.constant 0 : i32
      %dma_start3A_108 = tpu.memref_slice %arg9[%add3A_36, %dma_start3A_107] : memref<10016x64xf32, #tpu.memory_space<vmem_shared>> -> memref<128x64xf32, #tpu.memory_space<vmem_shared>>
      %dma_start3A_109 = arith.constant 0 : i32
      %dma_start3A_110 = tpu.memref_slice %arg9[%add3A_36, %dma_start3A_109] : memref<10016x64xf32, #tpu.memory_space<vmem_shared>> -> memref<128x64xf32, #tpu.memory_space<vmem_shared>>
      %dma_start3A_111 = arith.constant 0 : i32
      %dma_start3A_112 = arith.constant 0 : i32
      %dma_start3A_113 = tpu.memref_slice %arg7[%dma_start3A_111, %dma_start3A_112] : memref<320x64xf32, #tpu.memory_space<vmem>> -> memref<128x64xf32, #tpu.memory_space<vmem>>
      tpu.enqueue_dma source(%dma_start3A_113 : memref<128x64xf32, #tpu.memory_space<vmem>>) target(%dma_start3A_110 : memref<128x64xf32, #tpu.memory_space<vmem_shared>>) target_semaphore(%run_scoped3A : memref<!tpu.dma_semaphore, #tpu.memory_space<semaphore_mem>>)
      %dma_wait3A_114 = arith.constant 0 : i32
      %dma_wait3A_115 = arith.constant 0 : i32
      %dma_wait3A_116 = tpu.memref_slice %arg7[%dma_wait3A_114, %dma_wait3A_115] : memref<320x64xf32, #tpu.memory_space<vmem>> -> memref<128x64xf32, #tpu.memory_space<vmem>>
      %dma_wait3A_117 = arith.constant 0 : i32
      %dma_wait3A_118 = tpu.memref_slice %arg9[%add3A_36, %dma_wait3A_117] : memref<10016x64xf32, #tpu.memory_space<vmem_shared>> -> memref<128x64xf32, #tpu.memory_space<vmem_shared>>
      %dma_wait3A_119 = arith.constant 0 : i32
      %dma_wait3A_120 = tpu.memref_slice %arg9[%add3A_36, %dma_wait3A_119] : memref<10016x64xf32, #tpu.memory_space<vmem_shared>> -> memref<128x64xf32, #tpu.memory_space<vmem_shared>>
      %dma_wait3A_121 = arith.constant 0 : i32
      %dma_wait3A_122 = arith.constant 0 : i32
      %dma_wait3A_123 = tpu.memref_slice %arg7[%dma_wait3A_121, %dma_wait3A_122] : memref<320x64xf32, #tpu.memory_space<vmem>> -> memref<128x64xf32, #tpu.memory_space<vmem>>
      tpu.wait_dma2 semaphore(%run_scoped3A : memref<!tpu.dma_semaphore, #tpu.memory_space<semaphore_mem>>) src(%dma_wait3A_123 : memref<128x64xf32, #tpu.memory_space<vmem>>) dst(%dma_wait3A_120 : memref<128x64xf32, #tpu.memory_space<vmem_shared>>)
      tpu.yield
    }) : () -> ()
    %add3A_37 = arith.constant 384 : i32
    %add3A_38 = arith.addi %mul3A_33, %add3A_37 : i32
    "tpu.region"() ({
      %run_scoped3A = tpu.sem_alloc : memref<!tpu.dma_semaphore, #tpu.memory_space<semaphore_mem>>
      %dma_start3A_104 = arith.constant 0 : i32
      %dma_start3A_105 = arith.constant 0 : i32
      %dma_start3A_106 = tpu.memref_slice %arg7[%dma_start3A_104, %dma_start3A_105] : memref<320x64xf32, #tpu.memory_space<vmem>> -> memref<128x64xf32, #tpu.memory_space<vmem>>
      %dma_start3A_107 = arith.constant 0 : i32
      %dma_start3A_108 = tpu.memref_slice %arg9[%add3A_38, %dma_start3A_107] : memref<10016x64xf32, #tpu.memory_space<vmem_shared>> -> memref<128x64xf32, #tpu.memory_space<vmem_shared>>
      %dma_start3A_109 = arith.constant 0 : i32
      %dma_start3A_110 = tpu.memref_slice %arg9[%add3A_38, %dma_start3A_109] : memref<10016x64xf32, #tpu.memory_space<vmem_shared>> -> memref<128x64xf32, #tpu.memory_space<vmem_shared>>
      %dma_start3A_111 = arith.constant 0 : i32
      %dma_start3A_112 = arith.constant 0 : i32
      %dma_start3A_113 = tpu.memref_slice %arg7[%dma_start3A_111, %dma_start3A_112] : memref<320x64xf32, #tpu.memory_space<vmem>> -> memref<128x64xf32, #tpu.memory_space<vmem>>
      tpu.enqueue_dma source(%dma_start3A_113 : memref<128x64xf32, #tpu.memory_space<vmem>>) target(%dma_start3A_110 : memref<128x64xf32, #tpu.memory_space<vmem_shared>>) target_semaphore(%run_scoped3A : memref<!tpu.dma_semaphore, #tpu.memory_space<semaphore_mem>>)
      %dma_wait3A_114 = arith.constant 0 : i32
      %dma_wait3A_115 = arith.constant 0 : i32
      %dma_wait3A_116 = tpu.memref_slice %arg7[%dma_wait3A_114, %dma_wait3A_115] : memref<320x64xf32, #tpu.memory_space<vmem>> -> memref<128x64xf32, #tpu.memory_space<vmem>>
      %dma_wait3A_117 = arith.constant 0 : i32
      %dma_wait3A_118 = tpu.memref_slice %arg9[%add3A_38, %dma_wait3A_117] : memref<10016x64xf32, #tpu.memory_space<vmem_shared>> -> memref<128x64xf32, #tpu.memory_space<vmem_shared>>
      %dma_wait3A_119 = arith.constant 0 : i32
      %dma_wait3A_120 = tpu.memref_slice %arg9[%add3A_38, %dma_wait3A_119] : memref<10016x64xf32, #tpu.memory_space<vmem_shared>> -> memref<128x64xf32, #tpu.memory_space<vmem_shared>>
      %dma_wait3A_121 = arith.constant 0 : i32
      %dma_wait3A_122 = arith.constant 0 : i32
      %dma_wait3A_123 = tpu.memref_slice %arg7[%dma_wait3A_121, %dma_wait3A_122] : memref<320x64xf32, #tpu.memory_space<vmem>> -> memref<128x64xf32, #tpu.memory_space<vmem>>
      tpu.wait_dma2 semaphore(%run_scoped3A : memref<!tpu.dma_semaphore, #tpu.memory_space<semaphore_mem>>) src(%dma_wait3A_123 : memref<128x64xf32, #tpu.memory_space<vmem>>) dst(%dma_wait3A_120 : memref<128x64xf32, #tpu.memory_space<vmem_shared>>)
      tpu.yield
    }) : () -> ()
    %add3A_39 = arith.constant 512 : i32
    %add3A_40 = arith.addi %mul3A_33, %add3A_39 : i32
    "tpu.region"() ({
      %run_scoped3A = tpu.sem_alloc : memref<!tpu.dma_semaphore, #tpu.memory_space<semaphore_mem>>
      %dma_start3A_104 = arith.constant 0 : i32
      %dma_start3A_105 = arith.constant 0 : i32
      %dma_start3A_106 = tpu.memref_slice %arg7[%dma_start3A_104, %dma_start3A_105] : memref<320x64xf32, #tpu.memory_space<vmem>> -> memref<128x64xf32, #tpu.memory_space<vmem>>
      %dma_start3A_107 = arith.constant 0 : i32
      %dma_start3A_108 = arith.constant 0 : i32
      %dma_start3A_109 = tpu.memref_slice %dma_start3A_106[%dma_start3A_107, %dma_start3A_108] : memref<128x64xf32, #tpu.memory_space<vmem>> -> memref<112x64xf32, #tpu.memory_space<vmem>>
      %dma_start3A_110 = arith.constant 0 : i32
      %dma_start3A_111 = tpu.memref_slice %arg9[%add3A_40, %dma_start3A_110] : memref<10016x64xf32, #tpu.memory_space<vmem_shared>> -> memref<112x64xf32, #tpu.memory_space<vmem_shared>>
      %dma_start3A_112 = arith.constant 0 : i32
      %dma_start3A_113 = tpu.memref_slice %arg9[%add3A_40, %dma_start3A_112] : memref<10016x64xf32, #tpu.memory_space<vmem_shared>> -> memref<112x64xf32, #tpu.memory_space<vmem_shared>>
      %dma_start3A_114 = arith.constant 0 : i32
      %dma_start3A_115 = arith.constant 0 : i32
      %dma_start3A_116 = tpu.memref_slice %arg7[%dma_start3A_114, %dma_start3A_115] : memref<320x64xf32, #tpu.memory_space<vmem>> -> memref<128x64xf32, #tpu.memory_space<vmem>>
      %dma_start3A_117 = arith.constant 0 : i32
      %dma_start3A_118 = arith.constant 0 : i32
      %dma_start3A_119 = tpu.memref_slice %dma_start3A_116[%dma_start3A_117, %dma_start3A_118] : memref<128x64xf32, #tpu.memory_space<vmem>> -> memref<112x64xf32, #tpu.memory_space<vmem>>
      tpu.enqueue_dma source(%dma_start3A_119 : memref<112x64xf32, #tpu.memory_space<vmem>>) target(%dma_start3A_113 : memref<112x64xf32, #tpu.memory_space<vmem_shared>>) target_semaphore(%run_scoped3A : memref<!tpu.dma_semaphore, #tpu.memory_space<semaphore_mem>>)
      %dma_wait3A_120 = arith.constant 0 : i32
      %dma_wait3A_121 = arith.constant 0 : i32
      %dma_wait3A_122 = tpu.memref_slice %arg7[%dma_wait3A_120, %dma_wait3A_121] : memref<320x64xf32, #tpu.memory_space<vmem>> -> memref<128x64xf32, #tpu.memory_space<vmem>>
      %dma_wait3A_123 = arith.constant 0 : i32
      %dma_wait3A_124 = arith.constant 0 : i32
      %dma_wait3A_125 = tpu.memref_slice %dma_wait3A_122[%dma_wait3A_123, %dma_wait3A_124] : memref<128x64xf32, #tpu.memory_space<vmem>> -> memref<112x64xf32, #tpu.memory_space<vmem>>
      %dma_wait3A_126 = arith.constant 0 : i32
      %dma_wait3A_127 = tpu.memref_slice %arg9[%add3A_40, %dma_wait3A_126] : memref<10016x64xf32, #tpu.memory_space<vmem_shared>> -> memref<112x64xf32, #tpu.memory_space<vmem_shared>>
      %dma_wait3A_128 = arith.constant 0 : i32
      %dma_wait3A_129 = tpu.memref_slice %arg9[%add3A_40, %dma_wait3A_128] : memref<10016x64xf32, #tpu.memory_space<vmem_shared>> -> memref<112x64xf32, #tpu.memory_space<vmem_shared>>
      %dma_wait3A_130 = arith.constant 0 : i32
      %dma_wait3A_131 = arith.constant 0 : i32
      %dma_wait3A_132 = tpu.memref_slice %arg7[%dma_wait3A_130, %dma_wait3A_131] : memref<320x64xf32, #tpu.memory_space<vmem>> -> memref<128x64xf32, #tpu.memory_space<vmem>>
      %dma_wait3A_133 = arith.constant 0 : i32
      %dma_wait3A_134 = arith.constant 0 : i32
      %dma_wait3A_135 = tpu.memref_slice %dma_wait3A_132[%dma_wait3A_133, %dma_wait3A_134] : memref<128x64xf32, #tpu.memory_space<vmem>> -> memref<112x64xf32, #tpu.memory_space<vmem>>
      tpu.wait_dma2 semaphore(%run_scoped3A : memref<!tpu.dma_semaphore, #tpu.memory_space<semaphore_mem>>) src(%dma_wait3A_135 : memref<112x64xf32, #tpu.memory_space<vmem>>) dst(%dma_wait3A_129 : memref<112x64xf32, #tpu.memory_space<vmem_shared>>)
      tpu.yield
    }) : () -> ()
    %eq3A = arith.constant 15 : i32
    %eq3A_41 = arith.cmpi eq, %arg1, %eq3A : i32
    %convert_element_type3A = arith.extui %eq3A_41 : i1 to i32
    %cond3A = arith.constant 0 : i32
    %cond3A_42 = arith.cmpi ne, %convert_element_type3A, %cond3A : i32
    scf.if %cond3A_42 {
      "tpu.region"() ({
        %run_scoped3A = tpu.sem_alloc : memref<!tpu.dma_semaphore, #tpu.memory_space<semaphore_mem>>
        %dma_start3A_104 = arith.constant 0 : i32
        %dma_start3A_105 = arith.constant 0 : i32
        %dma_start3A_106 = tpu.memref_slice %arg7[%dma_start3A_104, %dma_start3A_105] : memref<320x64xf32, #tpu.memory_space<vmem>> -> memref<128x64xf32, #tpu.memory_space<vmem>>
        %dma_start3A_107 = arith.constant 0 : i32
        %dma_start3A_108 = arith.constant 0 : i32
        %dma_start3A_109 = tpu.memref_slice %dma_start3A_106[%dma_start3A_107, %dma_start3A_108] : memref<128x64xf32, #tpu.memory_space<vmem>> -> memref<32x64xf32, #tpu.memory_space<vmem>>
        %dma_start3A_110 = arith.constant 9984 : i32
        %dma_start3A_111 = arith.constant 0 : i32
        %dma_start3A_112 = tpu.memref_slice %arg9[%dma_start3A_110, %dma_start3A_111] : memref<10016x64xf32, #tpu.memory_space<vmem_shared>> -> memref<32x64xf32, #tpu.memory_space<vmem_shared>>
        %dma_start3A_113 = arith.constant 9984 : i32
        %dma_start3A_114 = arith.constant 0 : i32
        %dma_start3A_115 = tpu.memref_slice %arg9[%dma_start3A_113, %dma_start3A_114] : memref<10016x64xf32, #tpu.memory_space<vmem_shared>> -> memref<32x64xf32, #tpu.memory_space<vmem_shared>>
        %dma_start3A_116 = arith.constant 0 : i32
        %dma_start3A_117 = arith.constant 0 : i32
        %dma_start3A_118 = tpu.memref_slice %arg7[%dma_start3A_116, %dma_start3A_117] : memref<320x64xf32, #tpu.memory_space<vmem>> -> memref<128x64xf32, #tpu.memory_space<vmem>>
        %dma_start3A_119 = arith.constant 0 : i32
        %dma_start3A_120 = arith.constant 0 : i32
        %dma_start3A_121 = tpu.memref_slice %dma_start3A_118[%dma_start3A_119, %dma_start3A_120] : memref<128x64xf32, #tpu.memory_space<vmem>> -> memref<32x64xf32, #tpu.memory_space<vmem>>
        tpu.enqueue_dma source(%dma_start3A_121 : memref<32x64xf32, #tpu.memory_space<vmem>>) target(%dma_start3A_115 : memref<32x64xf32, #tpu.memory_space<vmem_shared>>) target_semaphore(%run_scoped3A : memref<!tpu.dma_semaphore, #tpu.memory_space<semaphore_mem>>)
        %dma_wait3A_122 = arith.constant 0 : i32
        %dma_wait3A_123 = arith.constant 0 : i32
        %dma_wait3A_124 = tpu.memref_slice %arg7[%dma_wait3A_122, %dma_wait3A_123] : memref<320x64xf32, #tpu.memory_space<vmem>> -> memref<128x64xf32, #tpu.memory_space<vmem>>
        %dma_wait3A_125 = arith.constant 0 : i32
        %dma_wait3A_126 = arith.constant 0 : i32
        %dma_wait3A_127 = tpu.memref_slice %dma_wait3A_124[%dma_wait3A_125, %dma_wait3A_126] : memref<128x64xf32, #tpu.memory_space<vmem>> -> memref<32x64xf32, #tpu.memory_space<vmem>>
        %dma_wait3A_128 = arith.constant 9984 : i32
        %dma_wait3A_129 = arith.constant 0 : i32
        %dma_wait3A_130 = tpu.memref_slice %arg9[%dma_wait3A_128, %dma_wait3A_129] : memref<10016x64xf32, #tpu.memory_space<vmem_shared>> -> memref<32x64xf32, #tpu.memory_space<vmem_shared>>
        %dma_wait3A_131 = arith.constant 9984 : i32
        %dma_wait3A_132 = arith.constant 0 : i32
        %dma_wait3A_133 = tpu.memref_slice %arg9[%dma_wait3A_131, %dma_wait3A_132] : memref<10016x64xf32, #tpu.memory_space<vmem_shared>> -> memref<32x64xf32, #tpu.memory_space<vmem_shared>>
        %dma_wait3A_134 = arith.constant 0 : i32
        %dma_wait3A_135 = arith.constant 0 : i32
        %dma_wait3A_136 = tpu.memref_slice %arg7[%dma_wait3A_134, %dma_wait3A_135] : memref<320x64xf32, #tpu.memory_space<vmem>> -> memref<128x64xf32, #tpu.memory_space<vmem>>
        %dma_wait3A_137 = arith.constant 0 : i32
        %dma_wait3A_138 = arith.constant 0 : i32
        %dma_wait3A_139 = tpu.memref_slice %dma_wait3A_136[%dma_wait3A_137, %dma_wait3A_138] : memref<128x64xf32, #tpu.memory_space<vmem>> -> memref<32x64xf32, #tpu.memory_space<vmem>>
        tpu.wait_dma2 semaphore(%run_scoped3A : memref<!tpu.dma_semaphore, #tpu.memory_space<semaphore_mem>>) src(%dma_wait3A_139 : memref<32x64xf32, #tpu.memory_space<vmem>>) dst(%dma_wait3A_133 : memref<32x64xf32, #tpu.memory_space<vmem_shared>>)
        tpu.yield
      }) : () -> ()
    } else {
    }
    %barrier3A = arith.constant 0 : index
    tpu.barrier barrier_id(%barrier3A)
    %dma_wait3A = arith.constant 0 : i32
    %dma_wait3A_43 = arith.constant 0 : i32
    %dma_wait3A_44 = tpu.memref_slice %arg5[%dma_wait3A_43] : memref<20480xi32, #tpu.memory_space<vmem>> -> memref<20000xi32, #tpu.memory_space<vmem>>
    %dma_wait3A_45 = arith.constant 0 : i32
    %dma_wait3A_46 = tpu.memref_slice %arg2[%dma_wait3A, %dma_wait3A_45] : memref<2x320000xi32, #tpu.memory_space<hbm>> -> memref<1x320000xi32, #tpu.memory_space<hbm>>
    %dma_wait3A_47 = tpu.memref_squeeze %dma_wait3A_46 : memref<1x320000xi32, #tpu.memory_space<hbm>> -> memref<320000xi32, #tpu.memory_space<hbm>>
    %dma_wait3A_48 = tpu.memref_slice %dma_wait3A_47[%mul3A_0] : memref<320000xi32, #tpu.memory_space<hbm>> -> memref<20000xi32, #tpu.memory_space<hbm>>
    %dma_wait3A_49 = arith.constant 0 : i32
    %dma_wait3A_50 = tpu.memref_slice %arg5[%dma_wait3A_49] : memref<20480xi32, #tpu.memory_space<vmem>> -> memref<20000xi32, #tpu.memory_space<vmem>>
    %dma_wait3A_51 = arith.constant 0 : i32
    %dma_wait3A_52 = tpu.memref_slice %arg2[%dma_wait3A, %dma_wait3A_51] : memref<2x320000xi32, #tpu.memory_space<hbm>> -> memref<1x320000xi32, #tpu.memory_space<hbm>>
    %dma_wait3A_53 = tpu.memref_squeeze %dma_wait3A_52 : memref<1x320000xi32, #tpu.memory_space<hbm>> -> memref<320000xi32, #tpu.memory_space<hbm>>
    %dma_wait3A_54 = tpu.memref_slice %dma_wait3A_53[%mul3A_0] : memref<320000xi32, #tpu.memory_space<hbm>> -> memref<20000xi32, #tpu.memory_space<hbm>>
    tpu.wait_dma2 semaphore(%arg10 : memref<!tpu.dma_semaphore, #tpu.memory_space<semaphore_mem>>) src(%dma_wait3A_54 : memref<20000xi32, #tpu.memory_space<hbm>>) dst(%dma_wait3A_50 : memref<20000xi32, #tpu.memory_space<vmem>>)
    %dma_wait3A_55 = arith.constant 1 : i32
    %dma_wait3A_56 = arith.constant 0 : i32
    %dma_wait3A_57 = tpu.memref_slice %arg6[%dma_wait3A_56] : memref<20480xi32, #tpu.memory_space<vmem>> -> memref<20000xi32, #tpu.memory_space<vmem>>
    %dma_wait3A_58 = arith.constant 0 : i32
    %dma_wait3A_59 = tpu.memref_slice %arg2[%dma_wait3A_55, %dma_wait3A_58] : memref<2x320000xi32, #tpu.memory_space<hbm>> -> memref<1x320000xi32, #tpu.memory_space<hbm>>
    %dma_wait3A_60 = tpu.memref_squeeze %dma_wait3A_59 : memref<1x320000xi32, #tpu.memory_space<hbm>> -> memref<320000xi32, #tpu.memory_space<hbm>>
    %dma_wait3A_61 = tpu.memref_slice %dma_wait3A_60[%mul3A_0] : memref<320000xi32, #tpu.memory_space<hbm>> -> memref<20000xi32, #tpu.memory_space<hbm>>
    %dma_wait3A_62 = arith.constant 0 : i32
    %dma_wait3A_63 = tpu.memref_slice %arg6[%dma_wait3A_62] : memref<20480xi32, #tpu.memory_space<vmem>> -> memref<20000xi32, #tpu.memory_space<vmem>>
    %dma_wait3A_64 = arith.constant 0 : i32
    %dma_wait3A_65 = tpu.memref_slice %arg2[%dma_wait3A_55, %dma_wait3A_64] : memref<2x320000xi32, #tpu.memory_space<hbm>> -> memref<1x320000xi32, #tpu.memory_space<hbm>>
    %dma_wait3A_66 = tpu.memref_squeeze %dma_wait3A_65 : memref<1x320000xi32, #tpu.memory_space<hbm>> -> memref<320000xi32, #tpu.memory_space<hbm>>
    %dma_wait3A_67 = tpu.memref_slice %dma_wait3A_66[%mul3A_0] : memref<320000xi32, #tpu.memory_space<hbm>> -> memref<20000xi32, #tpu.memory_space<hbm>>
    tpu.wait_dma2 semaphore(%arg11 : memref<!tpu.dma_semaphore, #tpu.memory_space<semaphore_mem>>) src(%dma_wait3A_67 : memref<20000xi32, #tpu.memory_space<hbm>>) dst(%dma_wait3A_63 : memref<20000xi32, #tpu.memory_space<vmem>>)
    %iota3A = tpu.iota {dimensions = array<i32: 0>} : vector<16xi32>
    %mul3A_68 = arith.constant 97 : i32
    %mul3A_69 = arith.muli %arg1, %mul3A_68 : i32
    %add3A_70 = vector.broadcast %mul3A_69 : i32 to vector<16xi32>
    %add3A_71 = arith.addi %iota3A, %add3A_70 : vector<16xi32>
    %add3A_72 = arith.constant 10000 : i32
    %add3A_73 = vector.broadcast %add3A_72 : i32 to vector<16xi32>
    %add3A_74 = arith.addi %iota3A, %add3A_73 : vector<16xi32>
    %scan3A_75 = arith.constant 0 : i32
    %scan3A_76 = arith.constant 0 : i32
    %scan3A_77 = arith.constant 30 : i32
    %scan3A_78 = arith.addi %scan3A_76, %scan3A_77 : i32
    %scan3A_79 = arith.constant 1 : i32
    scf.for %scan3A_104 = %scan3A_76 to %scan3A_78 step %scan3A_79  : i32 {
      %mul3A_105 = arith.constant 16 : i32
      %mul3A_106 = arith.muli %scan3A_104, %mul3A_105 : i32
      %add3A_107 = arith.constant 20000 : i32
      %add3A_108 = arith.addi %add3A_107, %mul3A_106 : i32
      %swap3A = arith.index_cast %add3A_108 : i32 to index
      %swap3A_109 = tpu.vector_load %arg5[%swap3A] {strides = array<i32>} : memref<20480xi32, #tpu.memory_space<vmem>>, vector<16xi32>,
      %swap3A_110 = vector.shape_cast %swap3A_109 : vector<16xi32> to vector<16xi32>
      %swap3A_111 = vector.shape_cast %add3A_71 : vector<16xi32> to vector<16xi32>
      tpu.vector_store %arg5[%swap3A], %swap3A_111 {strides = array<i32>} : memref<20480xi32, #tpu.memory_space<vmem>>, vector<16xi32>,
      %mul3A_112 = arith.constant 16 : i32
      %mul3A_113 = arith.muli %scan3A_104, %mul3A_112 : i32
      %add3A_114 = arith.constant 20000 : i32
      %add3A_115 = arith.addi %add3A_114, %mul3A_113 : i32
      %swap3A_116 = arith.index_cast %add3A_115 : i32 to index
      %swap3A_117 = tpu.vector_load %arg6[%swap3A_116] {strides = array<i32>} : memref<20480xi32, #tpu.memory_space<vmem>>, vector<16xi32>,
      %swap3A_118 = vector.shape_cast %swap3A_117 : vector<16xi32> to vector<16xi32>
      %swap3A_119 = vector.shape_cast %add3A_74 : vector<16xi32> to vector<16xi32>
      tpu.vector_store %arg6[%swap3A_116], %swap3A_119 {strides = array<i32>} : memref<20480xi32, #tpu.memory_space<vmem>>, vector<16xi32>,
    }
    %scan3A_80 = arith.constant 30 : i32
    %dma_start3A_81 = arith.constant 0 : i32
    %dma_start3A_82 = tpu.memref_slice %arg5[%dma_start3A_81] : memref<20480xi32, #tpu.memory_space<vmem>> -> memref<320xi32, #tpu.memory_space<vmem>>
    %dma_start3A_83 = arith.constant 0 : i32
    %dma_start3A_84 = arith.constant 0 : i32
    %dma_start3A_85 = tpu.memref_slice %arg3[%arg0, %dma_start3A_83, %dma_start3A_84] : memref<2x10000x64xf32, #tpu.memory_space<hbm>> -> memref<1x10000x64xf32, #tpu.memory_space<hbm>>
    %dma_start3A_86 = tpu.memref_squeeze %dma_start3A_85 : memref<1x10000x64xf32, #tpu.memory_space<hbm>> -> memref<10000x64xf32, #tpu.memory_space<hbm>>
    %dma_start3A_87 = arith.constant 0 : i32
    %dma_start3A_88 = arith.constant 0 : i32
    %dma_start3A_89 = tpu.memref_slice %dma_start3A_86[%dma_start3A_87, %dma_start3A_88] : memref<10000x64xf32, #tpu.memory_space<hbm>> -> memref<10000x64xf32, #tpu.memory_space<hbm>>
    tpu.enqueue_indirect_dma source(%dma_start3A_89 : memref<10000x64xf32, #tpu.memory_space<hbm>>) target(%arg7 : memref<320x64xf32, #tpu.memory_space<vmem>>) offsets(%dma_start3A_82 : memref<320xi32, #tpu.memory_space<vmem>>) semaphore(%arg10 : memref<!tpu.dma_semaphore, #tpu.memory_space<semaphore_mem>>)
    %scan3A_90 = arith.constant 0 : i32
    %scan3A_91 = arith.constant 0 : i32
    %scan3A_92 = arith.constant 32 : i32
    %scan3A_93 = arith.addi %scan3A_91, %scan3A_92 : i32
    %scan3A_94 = arith.constant 1 : i32
    scf.for %scan3A_104 = %scan3A_91 to %scan3A_93 step %scan3A_94  : i32 {
      %mul3A_105 = arith.constant 2 : i32
      %mul3A_106 = arith.muli %mul3A_105, %scan3A_104 : i32
      %add3A_107 = arith.constant 1 : i32
      %add3A_108 = arith.addi %mul3A_106, %add3A_107 : i32
      %mul3A_109 = arith.constant 320 : i32
      %mul3A_110 = arith.muli %add3A_108, %mul3A_109 : i32
      %dma_start3A_111 = tpu.memref_slice %arg5[%mul3A_110] : memref<20480xi32, #tpu.memory_space<vmem>> -> memref<320xi32, #tpu.memory_space<vmem>>
      %dma_start3A_112 = arith.constant 0 : i32
      %dma_start3A_113 = arith.constant 0 : i32
      %dma_start3A_114 = tpu.memref_slice %arg3[%arg0, %dma_start3A_112, %dma_start3A_113] : memref<2x10000x64xf32, #tpu.memory_space<hbm>> -> memref<1x10000x64xf32, #tpu.memory_space<hbm>>
      %dma_start3A_115 = tpu.memref_squeeze %dma_start3A_114 : memref<1x10000x64xf32, #tpu.memory_space<hbm>> -> memref<10000x64xf32, #tpu.memory_space<hbm>>
      %dma_start3A_116 = arith.constant 0 : i32
      %dma_start3A_117 = arith.constant 0 : i32
      %dma_start3A_118 = tpu.memref_slice %dma_start3A_115[%dma_start3A_116, %dma_start3A_117] : memref<10000x64xf32, #tpu.memory_space<hbm>> -> memref<10000x64xf32, #tpu.memory_space<hbm>>
      tpu.enqueue_indirect_dma source(%dma_start3A_118 : memref<10000x64xf32, #tpu.memory_space<hbm>>) target(%arg8 : memref<320x64xf32, #tpu.memory_space<vmem>>) offsets(%dma_start3A_111 : memref<320xi32, #tpu.memory_space<vmem>>) semaphore(%arg11 : memref<!tpu.dma_semaphore, #tpu.memory_space<semaphore_mem>>)
      %mul3A_119 = arith.constant 320 : i32
      %mul3A_120 = arith.muli %mul3A_106, %mul3A_119 : i32
      %dma_wait3A_121 = tpu.memref_slice %arg5[%mul3A_120] : memref<20480xi32, #tpu.memory_space<vmem>> -> memref<320xi32, #tpu.memory_space<vmem>>
      %dma_wait3A_122 = arith.constant 0 : i32
      %dma_wait3A_123 = arith.constant 0 : i32
      %dma_wait3A_124 = tpu.memref_slice %arg3[%arg0, %dma_wait3A_122, %dma_wait3A_123] : memref<2x10000x64xf32, #tpu.memory_space<hbm>> -> memref<1x10000x64xf32, #tpu.memory_space<hbm>>
      %dma_wait3A_125 = tpu.memref_squeeze %dma_wait3A_124 : memref<1x10000x64xf32, #tpu.memory_space<hbm>> -> memref<10000x64xf32, #tpu.memory_space<hbm>>
      %dma_wait3A_126 = arith.constant 0 : i32
      %dma_wait3A_127 = arith.constant 0 : i32
      %dma_wait3A_128 = tpu.memref_slice %dma_wait3A_125[%dma_wait3A_126, %dma_wait3A_127] : memref<10000x64xf32, #tpu.memory_space<hbm>> -> memref<10000x64xf32, #tpu.memory_space<hbm>>
      tpu.wait_indirect_dma semaphore(%arg10 : memref<!tpu.dma_semaphore, #tpu.memory_space<semaphore_mem>>) src(%dma_wait3A_128 : memref<10000x64xf32, #tpu.memory_space<hbm>>) dst(%arg7 : memref<320x64xf32, #tpu.memory_space<vmem>>)
      %mul3A_129 = arith.constant 320 : i32
      %mul3A_130 = arith.muli %mul3A_106, %mul3A_129 : i32
      "tpu.region"() ({
        %run_scoped3A = tpu.sem_alloc : memref<!tpu.dma_semaphore, #tpu.memory_space<semaphore_mem>>
        %dma_start3A_151 = tpu.memref_slice %arg6[%mul3A_130] : memref<20480xi32, #tpu.memory_space<vmem>> -> memref<320xi32, #tpu.memory_space<vmem>>
        %dma_start3A_152 = arith.constant 0 : i32
        %dma_start3A_153 = arith.constant 0 : i32
        %dma_start3A_154 = tpu.memref_slice %arg9[%dma_start3A_152, %dma_start3A_153] : memref<10016x64xf32, #tpu.memory_space<vmem_shared>> -> memref<10016x64xf32, #tpu.memory_space<vmem_shared>>
        tpu.enqueue_indirect_dma source(%arg7 : memref<320x64xf32, #tpu.memory_space<vmem>>) target(%dma_start3A_154 : memref<10016x64xf32, #tpu.memory_space<vmem_shared>>) offsets(%dma_start3A_151 : memref<320xi32, #tpu.memory_space<vmem>>) semaphore(%run_scoped3A : memref<!tpu.dma_semaphore, #tpu.memory_space<semaphore_mem>>) {add = true}
        %dma_wait3A_155 = tpu.memref_slice %arg6[%mul3A_130] : memref<20480xi32, #tpu.memory_space<vmem>> -> memref<320xi32, #tpu.memory_space<vmem>>
        %dma_wait3A_156 = arith.constant 0 : i32
        %dma_wait3A_157 = arith.constant 0 : i32
        %dma_wait3A_158 = tpu.memref_slice %arg9[%dma_wait3A_156, %dma_wait3A_157] : memref<10016x64xf32, #tpu.memory_space<vmem_shared>> -> memref<10016x64xf32, #tpu.memory_space<vmem_shared>>
        tpu.wait_indirect_dma semaphore(%run_scoped3A : memref<!tpu.dma_semaphore, #tpu.memory_space<semaphore_mem>>) src(%arg7 : memref<320x64xf32, #tpu.memory_space<vmem>>) dst(%dma_wait3A_158 : memref<10016x64xf32, #tpu.memory_space<vmem_shared>>)
        tpu.yield
      }) : () -> ()
      %lt3A = arith.constant 31 : i32
      %lt3A_131 = arith.cmpi slt, %scan3A_104, %lt3A : i32
      %convert_element_type3A_132 = arith.extui %lt3A_131 : i1 to i32
      %cond3A_133 = arith.constant 0 : i32
      %cond3A_134 = arith.cmpi ne, %convert_element_type3A_132, %cond3A_133 : i32
      scf.if %cond3A_134 {
        %add3A_151 = arith.constant 2 : i32
        %add3A_152 = arith.addi %mul3A_106, %add3A_151 : i32
        %mul3A_153 = arith.constant 320 : i32
        %mul3A_154 = arith.muli %add3A_152, %mul3A_153 : i32
        %dma_start3A_155 = tpu.memref_slice %arg5[%mul3A_154] : memref<20480xi32, #tpu.memory_space<vmem>> -> memref<320xi32, #tpu.memory_space<vmem>>
        %dma_start3A_156 = arith.constant 0 : i32
        %dma_start3A_157 = arith.constant 0 : i32
        %dma_start3A_158 = tpu.memref_slice %arg3[%arg0, %dma_start3A_156, %dma_start3A_157] : memref<2x10000x64xf32, #tpu.memory_space<hbm>> -> memref<1x10000x64xf32, #tpu.memory_space<hbm>>
        %dma_start3A_159 = tpu.memref_squeeze %dma_start3A_158 : memref<1x10000x64xf32, #tpu.memory_space<hbm>> -> memref<10000x64xf32, #tpu.memory_space<hbm>>
        %dma_start3A_160 = arith.constant 0 : i32
        %dma_start3A_161 = arith.constant 0 : i32
        %dma_start3A_162 = tpu.memref_slice %dma_start3A_159[%dma_start3A_160, %dma_start3A_161] : memref<10000x64xf32, #tpu.memory_space<hbm>> -> memref<10000x64xf32, #tpu.memory_space<hbm>>
        tpu.enqueue_indirect_dma source(%dma_start3A_162 : memref<10000x64xf32, #tpu.memory_space<hbm>>) target(%arg7 : memref<320x64xf32, #tpu.memory_space<vmem>>) offsets(%dma_start3A_155 : memref<320xi32, #tpu.memory_space<vmem>>) semaphore(%arg10 : memref<!tpu.dma_semaphore, #tpu.memory_space<semaphore_mem>>)
      } else {
      }
      %add3A_135 = arith.constant 1 : i32
      %add3A_136 = arith.addi %mul3A_106, %add3A_135 : i32
      %mul3A_137 = arith.constant 320 : i32
      %mul3A_138 = arith.muli %add3A_136, %mul3A_137 : i32
      %dma_wait3A_139 = tpu.memref_slice %arg5[%mul3A_138] : memref<20480xi32, #tpu.memory_space<vmem>> -> memref<320xi32, #tpu.memory_space<vmem>>
      %dma_wait3A_140 = arith.constant 0 : i32
      %dma_wait3A_141 = arith.constant 0 : i32
      %dma_wait3A_142 = tpu.memref_slice %arg3[%arg0, %dma_wait3A_140, %dma_wait3A_141] : memref<2x10000x64xf32, #tpu.memory_space<hbm>> -> memref<1x10000x64xf32, #tpu.memory_space<hbm>>
      %dma_wait3A_143 = tpu.memref_squeeze %dma_wait3A_142 : memref<1x10000x64xf32, #tpu.memory_space<hbm>> -> memref<10000x64xf32, #tpu.memory_space<hbm>>
      %dma_wait3A_144 = arith.constant 0 : i32
      %dma_wait3A_145 = arith.constant 0 : i32
      %dma_wait3A_146 = tpu.memref_slice %dma_wait3A_143[%dma_wait3A_144, %dma_wait3A_145] : memref<10000x64xf32, #tpu.memory_space<hbm>> -> memref<10000x64xf32, #tpu.memory_space<hbm>>
      tpu.wait_indirect_dma semaphore(%arg11 : memref<!tpu.dma_semaphore, #tpu.memory_space<semaphore_mem>>) src(%dma_wait3A_146 : memref<10000x64xf32, #tpu.memory_space<hbm>>) dst(%arg8 : memref<320x64xf32, #tpu.memory_space<vmem>>)
      %add3A_147 = arith.constant 1 : i32
      %add3A_148 = arith.addi %mul3A_106, %add3A_147 : i32
      %mul3A_149 = arith.constant 320 : i32
      %mul3A_150 = arith.muli %add3A_148, %mul3A_149 : i32
      "tpu.region"() ({
        %run_scoped3A = tpu.sem_alloc : memref<!tpu.dma_semaphore, #tpu.memory_space<semaphore_mem>>
        %dma_start3A_151 = tpu.memref_slice %arg6[%mul3A_150] : memref<20480xi32, #tpu.memory_space<vmem>> -> memref<320xi32, #tpu.memory_space<vmem>>
        %dma_start3A_152 = arith.constant 0 : i32
        %dma_start3A_153 = arith.constant 0 : i32
        %dma_start3A_154 = tpu.memref_slice %arg9[%dma_start3A_152, %dma_start3A_153] : memref<10016x64xf32, #tpu.memory_space<vmem_shared>> -> memref<10016x64xf32, #tpu.memory_space<vmem_shared>>
        tpu.enqueue_indirect_dma source(%arg8 : memref<320x64xf32, #tpu.memory_space<vmem>>) target(%dma_start3A_154 : memref<10016x64xf32, #tpu.memory_space<vmem_shared>>) offsets(%dma_start3A_151 : memref<320xi32, #tpu.memory_space<vmem>>) semaphore(%run_scoped3A : memref<!tpu.dma_semaphore, #tpu.memory_space<semaphore_mem>>) {add = true}
        %dma_wait3A_155 = tpu.memref_slice %arg6[%mul3A_150] : memref<20480xi32, #tpu.memory_space<vmem>> -> memref<320xi32, #tpu.memory_space<vmem>>
        %dma_wait3A_156 = arith.constant 0 : i32
        %dma_wait3A_157 = arith.constant 0 : i32
        %dma_wait3A_158 = tpu.memref_slice %arg9[%dma_wait3A_156, %dma_wait3A_157] : memref<10016x64xf32, #tpu.memory_space<vmem_shared>> -> memref<10016x64xf32, #tpu.memory_space<vmem_shared>>
        tpu.wait_indirect_dma semaphore(%run_scoped3A : memref<!tpu.dma_semaphore, #tpu.memory_space<semaphore_mem>>) src(%arg8 : memref<320x64xf32, #tpu.memory_space<vmem>>) dst(%dma_wait3A_158 : memref<10016x64xf32, #tpu.memory_space<vmem_shared>>)
        tpu.yield
      }) : () -> ()
    }
    %scan3A_95 = arith.constant 32 : i32
    %barrier3A_96 = arith.constant 0 : index
    tpu.barrier barrier_id(%barrier3A_96)
    %mul3A_97 = arith.constant 624 : i32
    %mul3A_98 = arith.muli %arg1, %mul3A_97 : i32
    "tpu.region"() ({
      %run_scoped3A = tpu.sem_alloc : memref<!tpu.dma_semaphore, #tpu.memory_space<semaphore_mem>>
      %dma_start3A_104 = arith.constant 0 : i32
      %dma_start3A_105 = arith.constant 0 : i32
      %dma_start3A_106 = tpu.memref_slice %arg4[%arg0, %dma_start3A_104, %dma_start3A_105] : memref<2x10000x64xf32, #tpu.memory_space<hbm>> -> memref<1x10000x64xf32, #tpu.memory_space<hbm>>
      %dma_start3A_107 = tpu.memref_squeeze %dma_start3A_106 : memref<1x10000x64xf32, #tpu.memory_space<hbm>> -> memref<10000x64xf32, #tpu.memory_space<hbm>>
      %dma_start3A_108 = arith.constant 0 : i32
      %dma_start3A_109 = tpu.memref_slice %dma_start3A_107[%mul3A_98, %dma_start3A_108] : memref<10000x64xf32, #tpu.memory_space<hbm>> -> memref<624x64xf32, #tpu.memory_space<hbm>>
      %dma_start3A_110 = arith.constant 0 : i32
      %dma_start3A_111 = tpu.memref_slice %arg9[%mul3A_98, %dma_start3A_110] : memref<10016x64xf32, #tpu.memory_space<vmem_shared>> -> memref<624x64xf32, #tpu.memory_space<vmem_shared>>
      tpu.enqueue_dma source(%dma_start3A_111 : memref<624x64xf32, #tpu.memory_space<vmem_shared>>) target(%dma_start3A_109 : memref<624x64xf32, #tpu.memory_space<hbm>>) target_semaphore(%run_scoped3A : memref<!tpu.dma_semaphore, #tpu.memory_space<semaphore_mem>>)
      %dma_wait3A_112 = arith.constant 0 : i32
      %dma_wait3A_113 = arith.constant 0 : i32
      %dma_wait3A_114 = tpu.memref_slice %arg4[%arg0, %dma_wait3A_112, %dma_wait3A_113] : memref<2x10000x64xf32, #tpu.memory_space<hbm>> -> memref<1x10000x64xf32, #tpu.memory_space<hbm>>
      %dma_wait3A_115 = tpu.memref_squeeze %dma_wait3A_114 : memref<1x10000x64xf32, #tpu.memory_space<hbm>> -> memref<10000x64xf32, #tpu.memory_space<hbm>>
      %dma_wait3A_116 = arith.constant 0 : i32
      %dma_wait3A_117 = tpu.memref_slice %dma_wait3A_115[%mul3A_98, %dma_wait3A_116] : memref<10000x64xf32, #tpu.memory_space<hbm>> -> memref<624x64xf32, #tpu.memory_space<hbm>>
      %dma_wait3A_118 = arith.constant 0 : i32
      %dma_wait3A_119 = tpu.memref_slice %arg9[%mul3A_98, %dma_wait3A_118] : memref<10016x64xf32, #tpu.memory_space<vmem_shared>> -> memref<624x64xf32, #tpu.memory_space<vmem_shared>>
      tpu.wait_dma2 semaphore(%run_scoped3A : memref<!tpu.dma_semaphore, #tpu.memory_space<semaphore_mem>>) src(%dma_wait3A_119 : memref<624x64xf32, #tpu.memory_space<vmem_shared>>) dst(%dma_wait3A_117 : memref<624x64xf32, #tpu.memory_space<hbm>>)
      tpu.yield
    }) : () -> ()
    %eq3A_99 = arith.constant 15 : i32
    %eq3A_100 = arith.cmpi eq, %arg1, %eq3A_99 : i32
    %convert_element_type3A_101 = arith.extui %eq3A_100 : i1 to i32
    %cond3A_102 = arith.constant 0 : i32
    %cond3A_103 = arith.cmpi ne, %convert_element_type3A_101, %cond3A_102 : i32
    scf.if %cond3A_103 {
      "tpu.region"() ({
        %run_scoped3A = tpu.sem_alloc : memref<!tpu.dma_semaphore, #tpu.memory_space<semaphore_mem>>
        %dma_start3A_104 = arith.constant 0 : i32
        %dma_start3A_105 = arith.constant 0 : i32
        %dma_start3A_106 = tpu.memref_slice %arg4[%arg0, %dma_start3A_104, %dma_start3A_105] : memref<2x10000x64xf32, #tpu.memory_space<hbm>> -> memref<1x10000x64xf32, #tpu.memory_space<hbm>>
        %dma_start3A_107 = tpu.memref_squeeze %dma_start3A_106 : memref<1x10000x64xf32, #tpu.memory_space<hbm>> -> memref<10000x64xf32, #tpu.memory_space<hbm>>
        %dma_start3A_108 = arith.constant 9984 : i32
        %dma_start3A_109 = arith.constant 0 : i32
        %dma_start3A_110 = tpu.memref_slice %dma_start3A_107[%dma_start3A_108, %dma_start3A_109] : memref<10000x64xf32, #tpu.memory_space<hbm>> -> memref<16x64xf32, #tpu.memory_space<hbm>>
        %dma_start3A_111 = arith.constant 9984 : i32
        %dma_start3A_112 = arith.constant 0 : i32
        %dma_start3A_113 = tpu.memref_slice %arg9[%dma_start3A_111, %dma_start3A_112] : memref<10016x64xf32, #tpu.memory_space<vmem_shared>> -> memref<16x64xf32, #tpu.memory_space<vmem_shared>>
        tpu.enqueue_dma source(%dma_start3A_113 : memref<16x64xf32, #tpu.memory_space<vmem_shared>>) target(%dma_start3A_110 : memref<16x64xf32, #tpu.memory_space<hbm>>) target_semaphore(%run_scoped3A : memref<!tpu.dma_semaphore, #tpu.memory_space<semaphore_mem>>)
        %dma_wait3A_114 = arith.constant 0 : i32
        %dma_wait3A_115 = arith.constant 0 : i32
        %dma_wait3A_116 = tpu.memref_slice %arg4[%arg0, %dma_wait3A_114, %dma_wait3A_115] : memref<2x10000x64xf32, #tpu.memory_space<hbm>> -> memref<1x10000x64xf32, #tpu.memory_space<hbm>>
        %dma_wait3A_117 = tpu.memref_squeeze %dma_wait3A_116 : memref<1x10000x64xf32, #tpu.memory_space<hbm>> -> memref<10000x64xf32, #tpu.memory_space<hbm>>
        %dma_wait3A_118 = arith.constant 9984 : i32
        %dma_wait3A_119 = arith.constant 0 : i32
        %dma_wait3A_120 = tpu.memref_slice %dma_wait3A_117[%dma_wait3A_118, %dma_wait3A_119] : memref<10000x64xf32, #tpu.memory_space<hbm>> -> memref<16x64xf32, #tpu.memory_space<hbm>>
        %dma_wait3A_121 = arith.constant 9984 : i32
        %dma_wait3A_122 = arith.constant 0 : i32
        %dma_wait3A_123 = tpu.memref_slice %arg9[%dma_wait3A_121, %dma_wait3A_122] : memref<10016x64xf32, #tpu.memory_space<vmem_shared>> -> memref<16x64xf32, #tpu.memory_space<vmem_shared>>
        tpu.wait_dma2 semaphore(%run_scoped3A : memref<!tpu.dma_semaphore, #tpu.memory_space<semaphore_mem>>) src(%dma_wait3A_123 : memref<16x64xf32, #tpu.memory_space<vmem_shared>>) dst(%dma_wait3A_120 : memref<16x64xf32, #tpu.memory_space<hbm>>)
        tpu.yield
      }) : () -> ()
    } else {
    }
    return
  }
}

module attributes {stable_mosaic.version = 14 : i64} {
  func.func @_tc_body(%arg0: i32, %arg1: memref<2x1000x64xf32, #tpu.memory_space<vmem>>, %arg2: memref<128x128xf32, #tpu.memory_space<vmem>>, %arg3: memref<1x128xf32, #tpu.memory_space<vmem>>, %arg4: memref<1000x128xf32, #tpu.memory_space<vmem>>) attributes {dimension_semantics = [#tpu.dimension_semantics<arbitrary>], iteration_bounds = array<i64: 10>, scalar_prefetch = 0 : i64, scratch_operands = 0 : i64, tpu.core_type = #tpu.core_type<tc>, window_params = [{transform_indices = @transform_0, window_bounds = array<i64: 2, 1000, 64>}, {pipeline_mode = #tpu.pipeline_mode<synchronous>, transform_indices = @transform_1, window_bounds = array<i64: 128, 128>}, {pipeline_mode = #tpu.pipeline_mode<synchronous>, transform_indices = @transform_2, window_bounds = array<i64: 1, 128>}, {transform_indices = @transform_3, window_bounds = array<i64: 1000, 128>}]} {
    %get3A = arith.constant 0 : index
    %get3A_0 = arith.constant 0 : index
    %get3A_1 = arith.constant 0 : index
    %get3A_2 = vector.load %arg1[%get3A, %get3A_0, %get3A_1] : memref<2x1000x64xf32, #tpu.memory_space<vmem>>, vector<1x1000x64xf32>
    %get3A_3 = vector.shape_cast %get3A_2 : vector<1x1000x64xf32> to vector<1000x64xf32>
    %get3A_4 = arith.constant 1 : index
    %get3A_5 = arith.constant 0 : index
    %get3A_6 = arith.constant 0 : index
    %get3A_7 = vector.load %arg1[%get3A_4, %get3A_5, %get3A_6] : memref<2x1000x64xf32, #tpu.memory_space<vmem>>, vector<1x1000x64xf32>
    %get3A_8 = vector.shape_cast %get3A_7 : vector<1x1000x64xf32> to vector<1000x64xf32>
    %concatenate3A = tpu.concatenate %get3A_3, %get3A_8 in 1 : vector<1000x64xf32>, vector<1000x64xf32> -> vector<1000x128xf32>
    %get3A_9 = arith.constant 0 : index
    %get3A_10 = arith.constant 0 : index
    %get3A_11 = vector.load %arg2[%get3A_9, %get3A_10] : memref<128x128xf32, #tpu.memory_space<vmem>>, vector<128x128xf32>
    %dot_general3A = arith.constant dense<0.000000e+00> : vector<1000x128xf32>
    %dot_general3A_12 = tpu.matmul %concatenate3A, %get3A_11, %dot_general3A {dimension_numbers = #tpu.dot_dimension_numbers<[1], [0], [0], [1], [0, 0, 1, 1], [], []>, precision = #tpu.contract_precision<fp32>, transpose_lhs_hint = false} : vector<1000x128xf32>, vector<128x128xf32>, vector<1000x128xf32> -> vector<1000x128xf32>
    %get3A_13 = arith.constant 0 : index
    %get3A_14 = arith.constant 0 : index
    %get3A_15 = vector.load %arg3[%get3A_13, %get3A_14] : memref<1x128xf32, #tpu.memory_space<vmem>>, vector<1x128xf32>
    %add3A = vector.broadcast %get3A_15 : vector<1x128xf32> to vector<1000x128xf32>
    %add3A_16 = arith.addf %dot_general3A_12, %add3A : vector<1000x128xf32>
    %swap3A = arith.constant 0 : index
    %swap3A_17 = arith.constant 0 : index
    %swap3A_18 = vector.load %arg4[%swap3A, %swap3A_17] : memref<1000x128xf32, #tpu.memory_space<vmem>>, vector<1000x128xf32>
    tpu.vector_store %arg4[%swap3A, %swap3A_17], %add3A_16 {strides = array<i32>} : memref<1000x128xf32, #tpu.memory_space<vmem>>, vector<1000x128xf32>,
    return
  }
  func.func @transform_0(%arg0: i32) -> (i32, i32, i32) {
    %c0_i32 = arith.constant 0 : i32
    %c0_i32_0 = arith.constant 0 : i32
    %c0_i32_1 = arith.constant 0 : i32
    return %c0_i32, %arg0, %c0_i32_0 : i32, i32, i32
  }
  func.func @transform_1(%arg0: i32) -> (i32, i32) {
    %c0_i32 = arith.constant 0 : i32
    %c0_i32_0 = arith.constant 0 : i32
    %c0_i32_1 = arith.constant 0 : i32
    return %c0_i32, %c0_i32_0 : i32, i32
  }
  func.func @transform_2(%arg0: i32) -> (i32, i32) {
    %c0_i32 = arith.constant 0 : i32
    %c0_i32_0 = arith.constant 0 : i32
    %c0_i32_1 = arith.constant 0 : i32
    return %c0_i32, %c0_i32_0 : i32, i32
  }
  func.func @transform_3(%arg0: i32) -> (i32, i32) {
    %c0_i32 = arith.constant 0 : i32
    %c0_i32_0 = arith.constant 0 : i32
    return %arg0, %c0_i32 : i32, i32
  }
}

</mosaic_0001>

<sc_bundles>
// kernel: kernel.4.cloned.1.call-start
scs
__scs_entry_jumppad:
0x0: {  	(pc) =	sbr.rel $0x88, $3  }
0x1: {  	(tag) =	ssettag $0x0;
	lr =	simm.s32 $0x1  }
0x2: {  	[smem:$0x3F9D] =	sst lr;
	_ =	strace $0xD0000000  }
0x3: {  	_ = 	snop  }
0x4: {  	_ = 	snop  }
0x5: {  	_ = 	snop  }
0x6: {  	_ = 	snop  }
0x7: {  	_ = 	snop  }
__scs_overlays_trampoline_lowered:
0x8: {  	[smem:$0x3FAC] =	sst s0  }
0x9: {  	[smem:$0x3FAD] =	sst s1  }
0xa: {  	[smem:$0x3FAE] =	sst s2  }
0xb: {  	[smem:$0x3FAF] =	sst s3  }
0xc: {  	[smem:$0x3FB0] =	sst s4  }
0xd: {  	[smem:$0x3FB1] =	sst s5  }
0xe: {  	[smem:$0x3FB2] =	sst s6  }
0xf: {  	[smem:$0x3FB3] =	sst s7  }
0x10: {  	[smem:$0x3FB4] =	sst s8  }
0x11: {  	[smem:$0x3FB5] =	sst s9;
	s0 =	simm.s32 @!p0 $0x0  }
0x12: {  	s1 =	sld [smem:$0x3F9B];
	s0 =	simm.s32 @p0 $0x1  }
0x13: {  	[smem:$0x3FB6] =	sst s0;
	s0 =	simm.s32 @!p1 $0x0  }
0x14: {  	s2 =	sld [smem:$0x3F9A];
	s0 =	simm.s32 @p1 $0x1  }
0x15: {  	[smem:$0x3FB7] =	sst s0;
	s0 =	simm.s32 @!p2 $0x0  }
0x16: {  	s3 =	sld [smem:$0x3FDB];
	s0 =	simm.s32 @p2 $0x1  }
0x17: {  	s4 =	simm.s32 $0x1BF5;
	[smem:$0x3FB9] =	sst s0  }
0x18: {  	s0 =	sld [smem:$0x3F9C];
	_ =	swait.ge [sflag:s4], $0x0  }
0x19: {  	s7 =	sld [smem:$0x3F9D]  }
0x1a: {  	s8 =	sadd.s32 $0xFFFFE003, lr  }
0x1b: {  	s9 =	sadd.s32 $0xFFFFFEF7, lr;
	s5 =	simm.s32 $0xFFFFFFFF;
	p2 =	slt.u32 s8, $0xFFFFF086  }
0x1c: {  	p1 =	slt.u32 s9, $0xF7A;
	s5 =	simm.s32 @!p2 $0x0  }
0x1d: {  	s5 =	simm.s32 @p1 $0x1;
	p0 =	seq.s32 s7, s2  }
0x1e: {  	s7 =	smul.u32 @!p0 $0xF7A, s2;
	p2 =	seq.s32 @!p0 s5, $0x0  }
0x1f: {  	s9 =	smul.u32 $0xF7A, s1;
	s8 =	simm.s32 @!p0 $0x1BF5;
	p2 =	por !p2, p0  }
0x20: {  	[sflag:s8] =	ssyncset.s32 @!p0 $0xFFFFF086;
	s6 =	sadd.s32 @!p0 s3, s7;
	s7 =	simm.s32 @!p0 $0x108  }
0x21: {  	s3 =	sadd.s32 s3, s9;
	s6 =	sadd.s32 @!p0 $0x88, s6;
	s7 =	simm.s32 @p2 $0x1082  }
0x22: {  	[simem:s7], [sflag:s8] =	dma.local @!p0 [hbm:s6], $0xF7A  }
0x23: {  	s9 =	sor.u32 $0xD0000000, s2;
	s6 =	simm.s32 $0x108;
	_ =	swait.ge @!p0 [sflag:s8], $0x0  }
0x24: {  	s3 =	sadd.s32 $0x88, s3;
	s6 =	simm.s32 @!p1 $0x1082;
	[sflag:s4] =	ssyncset.s32 $0xFFFFF086  }
0x25: {  	[simem:s6], [sflag:s4] =	dma.local [hbm:s3], $0xF7A  }
0x26: {  	[smem:$0x3F9D] =	sst s1;
	(tag) =	ssettag s2;
	_ =	strace s9  }
0x27: {  	s1 =	sld [smem:$0x3FAD]  }
0x28: {  	s2 =	sld [smem:$0x3FAE]  }
0x29: {  	s4 =	sld [smem:$0x3FB0]  }
0x2a: {  	p0 =	seq.s32 s5, $0x0;
	s5 =	sld [smem:$0x3FB1]  }
0x2b: {  	s6 =	sld [smem:$0x3FB2]  }
0x2c: {  	s7 =	sld [smem:$0x3FB3]  }
0x2d: {  	s3 =	simm.s32 $0x108;
	s8 =	sld [smem:$0x3FB4]  }
0x2e: {  	s3 =	simm.s32 @!p0 $0x1082;
	s9 =	sld [smem:$0x3FB5]  }
0x2f: {  	lr =	sadd.s32 s0, s3;
	s0 =	sld [smem:$0x3FAC]  }
0x30: {  	s3 =	sld [smem:$0x3FAF]  }
0x31: {  	[smem:$0x3FB8] =	sst s10  }
0x32: {  	s10 =	sld [smem:$0x3FB6];
	_ =	sdelay $0x3  }
0x33: {  	p0 =	seq.s32 s10, $0x1;
	s10 =	sld [smem:$0x3FB8];
	_ =	sdelay $0x3  }
0x34: {  	[smem:$0x3FB8] =	sst s10  }
0x35: {  	s10 =	sld [smem:$0x3FB7];
	_ =	sdelay $0x3  }
0x36: {  	p1 =	seq.s32 s10, $0x1;
	s10 =	sld [smem:$0x3FB8];
	_ =	sdelay $0x3  }
0x37: {  	[smem:$0x3FB8] =	sst s10  }
0x38: {  	s10 =	sld [smem:$0x3FB9]  }
0x39: {  	_ = 	snop;
	(pc) =	sbr.ind lr, $3  }
0x3a: {  	_ = 	snop  }
0x3b: {  	_ = 	snop  }
0x3c: {  	p2 =	seq.s32 s10, $0x1;
	s10 =	sld [smem:$0x3FB8]  }
0x3d: {  	_ =	shalt  }
0x3e: {  	_ =	shalt  }
0x3f: {  	_ =	shalt  }
0x40: {  	_ =	shalt  }
0x41: {  	_ =	shalt  }
0x42: {  	_ =	shalt  }
0x43: {  	_ =	shalt  }
0x44: {  	_ =	shalt  }
0x45: {  	_ =	shalt  }
0x46: {  	_ =	shalt  }
0x47: {  	_ =	shalt  }
0x48: {  	_ =	shalt  }
0x49: {  	_ =	shalt  }
0x4a: {  	_ =	shalt  }
0x4b: {  	_ =	shalt  }
0x4c: {  	_ =	shalt  }
0x4d: {  	_ =	shalt  }
0x4e: {  	_ =	shalt  }
0x4f: {  	_ =	shalt  }
0x50: {  	_ =	shalt  }
0x51: {  	_ =	shalt  }
0x52: {  	_ =	shalt  }
0x53: {  	_ =	shalt  }
0x54: {  	_ =	shalt  }
0x55: {  	_ =	shalt  }
0x56: {  	_ =	shalt  }
0x57: {  	_ =	shalt  }
0x58: {  	_ =	shalt  }
0x59: {  	_ =	shalt  }
0x5a: {  	_ =	shalt  }
0x5b: {  	_ =	shalt  }
0x5c: {  	_ =	shalt  }
0x5d: {  	_ =	shalt  }
0x5e: {  	_ =	shalt  }
0x5f: {  	_ =	shalt  }
0x60: {  	_ =	shalt  }
0x61: {  	_ =	shalt  }
0x62: {  	_ =	shalt  }
0x63: {  	_ =	shalt  }
0x64: {  	_ =	shalt  }
0x65: {  	_ =	shalt  }
0x66: {  	_ =	shalt  }
0x67: {  	_ =	shalt  }
0x68: {  	_ =	shalt  }
0x69: {  	_ =	shalt  }
0x6a: {  	_ =	shalt  }
0x6b: {  	_ =	shalt  }
0x6c: {  	_ =	shalt  }
0x6d: {  	_ =	shalt  }
0x6e: {  	_ =	shalt  }
0x6f: {  	_ =	shalt  }
0x70: {  	_ =	shalt  }
0x71: {  	_ =	shalt  }
0x72: {  	_ =	shalt  }
0x73: {  	_ =	shalt  }
0x74: {  	_ =	shalt  }
0x75: {  	_ =	shalt  }
0x76: {  	_ =	shalt  }
0x77: {  	_ =	shalt  }
0x78: {  	_ =	shalt  }
0x79: {  	_ =	shalt  }
0x7a: {  	_ =	shalt  }
0x7b: {  	_ =	shalt  }
0x7c: {  	_ =	shalt  }
0x7d: {  	_ =	shalt  }
0x7e: {  	_ =	shalt  }
0x7f: {  	_ =	shalt  }
0x80: {  	_ =	shalt  }
0x81: {  	_ =	shalt  }
0x82: {  	_ =	shalt  }
0x83: {  	_ =	shalt  }
0x84: {  	_ =	shalt  }
0x85: {  	_ =	shalt  }
0x86: {  	_ =	shalt  }
0x87: {  	_ =	shalt  }
.Lfunc_end0:
.L_simem_size_0:
called_computation_lowered:
.L_overlay_start_0:
0x88: {  	s2 =	sld [smem:$0x3FD9]  }
0x89: {  	s3 =	sld [smem:$0x3FFE];
	_ =	sdelay $0x1  }
0x8a: {  	s1 =	srdreg.scid  }
0x8b: {  	s0 =	sand.u32 $0x1, s1  }
0x8c: {  	s17 =	sshll.u32 s0, $0xA;
	s2 =	sadd.s32 s3, s2  }
0x8d: {  	s2 =	sadd.s32 s2, s17  }
0x8e: {  	[smem:$0x3FC4] =	sst s2  }
0x8f: {  	_ = 	snop  }
0x90: {  	s2 =	sld [smem:$0x3FD0];
	(tm) =	ssettm $0x1  }
0x91: {  	s18 =	sld [smem:$0x3FFB];
	_ =	sdelay $0x3  }
0x92: {  	_ =	strace s18  }
0x93: {  	s3 =	sld [smem:$0x3FFC];
	_ =	sdelay $0x3  }
0x94: {  	_ =	strace s3  }
0x95: {  	s3 =	sld [smem:$0x3FFD];
	_ =	sdelay $0x3  }
0x96: {  	_ =	strace s3  }
0x97: {  	_ =	strace $0x8FFFFFFF  }
0x98: {  	s19 =	sld [smem:$0x3FDB];
	_ =	sdelay $0x1  }
0x99: {  	s4 =	simm.s32 $_scs_section_size  }
0x9a: {  	s5 =	simm.s32 $_size__tile_overlayer_lowered;
	s6 =	simm.s32 $_tile_overlayer_lowered  }
0x9b: {  	s22 =	simm.s32 $0x1BFF;
	s21 =	sshll.u32 s6, $0x1;
	s3 =	sadd.s32 s4, s19  }
0x9c: {  	s7 =	simm.s32 $0x0;
	s20 =	sshll.u32 s5, $0x1;
	s5 =	sadd.s32 s21, s3  }
0x9d: {  	[timem:s7], [sflag:s22] =	dma.local [hbm:s5], s20  }
0x9e: {  	_ =	swait.ge [sflag:s22], s20  }
0x9f: {  	s4 =	ssub.s32 $0x0, s20;
	[sflag:s22] =	ssyncset.done $0x0  }
0xa0: {  	[sflag:s22] =	ssyncadd.s32 s4;
	_ =	sdelay $0x1  }
0xa1: {  	s23 =	simm.s32 $0x1B8B  }
0xa2: {  	_ =	swait.ge [sflag:s23], $0x1  }
0xa3: {  	[sflag:s23] =	ssyncset.done $0x0  }
0xa4: {  	s25 =	simm.s32 $0x1B8E;
	s24 =	sld [smem:$0x3FFE];
	[sflag:s23] =	ssyncadd.s32 $0xFFFFFFFF  }
0xa5: {  	s26 =	simm.s32 $execute0_lowered;
	[smem:$0x3FD2] =	sst s25  }
0xa6: {  	s5 =	sshll.u32 s26, $0x1;
	_ =	strace $0x80000046;
	[dreg:$0x1] =	wrdreg $0xFFFFFFFF  }
0xa7: {  	s28 =	simm.s32 $_size_execute0_lowered;
	s3 =	sadd.s32 s3, s5;
	[dreg:$0x0] =	wrdreg $0x0  }
0xa8: {  	s5 =	sshll.u32 s28, $0x1;
	[dreg:$0x2] =	wrdreg s3  }
0xa9: {  	[dreg:$0x3] =	wrdreg s5  }
0xaa: {  	[dreg:$0x4] =	wrdreg $0xC0  }
0xab: {  	_ =	task [dreg:s7], $0x5FFFF  }
0xac: {  	[dreg:$0x1] =	wrdreg $0xFFFFFFFF  }
0xad: {  	[dreg:$0x0] =	wrdreg $0x60  }
0xae: {  	[dreg:$0x2] =	wrdreg s24  }
0xaf: {  	[dreg:$0x3] =	wrdreg s2  }
0xb0: {  	[dreg:$0x4] =	wrdreg $0x140000  }
0xb1: {  	[dreg:$0x5] =	wrdreg $0x9  }
0xb2: {  	_ =	task.clear_ibuf [dreg:s7], $0x6FFFF;
	_ =	strace $0x90000046  }
0xb3: {  	s29 =	simm.s32 $0x9;
	_ =	strace $0x80000048  }
0xb4: {  	_ =	swait.ge [sflag:s29], $0x1  }
0xb5: {  	[sflag:s29] =	ssyncadd.s32 $0xFFFFFFFF  }
0xb6: {  	_ =	strace $0x90000048  }
0xb7: {  	_ =	sfence  }
0xb8: {  	s30 =	sld [smem:$0x0];
	_ =	sdelay $0x2  }
0xb9: {  	s31 =	sshll.u32 s1, $0xD;
	s1 =	sshrl.u32 s1, $0x2  }
0xba: {  	s3 =	sand.u32 $0x4000, s31;
	s1 =	sadd.s32 s1, s30  }
0xbb: {  	s0 =	sor.u32 s3, s0;
	s1 =	sshll.u32 s1, $0x11  }
0xbc: {  	s0 =	sor.u32 s1, s0  }
0xbd: {  	s0 =	sadd.s32 $0x8F2B, s0  }
0xbe: {  	[sflag:s0] =	ssyncadd.remote.s32 $0x1  }
0xbf: {  	_ =	sfence.sel $0xFFFF  }
0xc0: {  	[dreg:$0x0] =	wrdreg $0xFFFFFFFF;
	(pc) =	sbr.abs _section_cstart, $3  }
0xc1: {  	[dreg:$0x1] =	wrdreg $0xFFFFFFFF  }
0xc2: {  	_ =	task.clear_ibuf [dreg:s7], $0x2FFFF;
	_ =	strace $0x9FFFFFFF  }
0xc3: {  	(tm) =	ssettm $0x7FFFFFFF  }
tec
execute0_lowered:
.L_overlay_start_1:
0x0: {  	(tag) =	ssettag $0x1  }
0x1: {  	s4 =	rddreg [dreg:$0x0]  }
0x2: {  	s12 =	rddreg [dreg:$0x1]  }
0x3: {  	s2 =	rddreg [dreg:$0x2];
	s1 =	stileid.u32  }
0x4: {  	s5 =	srdreg.scid;
	s3 =	simm.s32 $0x0;
	s17 =	simm.s32 $0x3  }
0x5: {  	s18 =	simm.s32 $0x1;
	s19 =	simm.s32 $0x2;
	s20 =	simm.s32 $0x140  }
0x6: {  	s21 =	simm.s32 $0xF000;
	s22 =	simm.s32 $0x4EC0;
	s6 =	smul.u32 $0x9C4, s1  }
0x7: {  	s23 =	simm.s32 $0x9D80;
	s26 =	simm.s32 $0x0;
	s7 =	smul.u32 $0x27000, s1  }
0x8: {  	s5 =	sand.u32 $0x1, s5;
	[smem:$0x7FF] =	sst s3;
	s16 =	smul.u32 $0x9C00, s1  }
0x9: {  	s11 =	sadd.s32 $0x9C000, s2;
	s24 =	smul.u32 $0x61, s1;
	p0 =	sne.s32 s1, $0xF  }
0xa: {  	s13 =	smul.u32 $0x13880, s5;
	_ =	strace $0x80000047;
	s5 =	ssub.s32 $0x2, s5  }
0xb: {  	v2 =	vlaneseq.u32;
	s6 =	sadd.s32 s6, s4;
	s31 =	sshrl.u32 s5, $0x1;
	s7 =	sshrl.u32 s7, $0x2  }
0xc: {  	s25 =	sshrl.u32 s16, $0x3;
	v0 =	vadd.s32 s24, v2;
	s24 =	simm.s32 $0x9EC0;
	s14 =	sadd.s32 s13, s4  }
0xd: {  	s15 =	ssub.s32 s5, s31;
	s4 =	sadd.s32 $0xC00, s6;
	s5 =	sadd.s32 $0xA840, s6  }
0xe: {  	s10 =	sadd.s32 s7, s2;
	s6 =	sadd.s32 s16, s2;
	s12 =	sadd.s32 s12, s13  }
0xf: {  	s16 =	simm.s32 $0xA000;
	s7 =	sadd.s32 $0x2000, s10;
	s8 =	sadd.s32 $0x4000, s10  }
0x10: {  	s9 =	sadd.s32 $0x6000, s10;
	s10 =	sadd.s32 $0x8000, s10;
	s13 =	sadd.s32 $0x14600, s14  }
0x11: {  	v1 =	vimm.f32 $0.0e+00;
	v2 =	vor.u32 $0x2710, v2;
	s14 =	smax.u32 s15, $0x1;
	s15 =	simm.s32 $0x5000;
	s25 =	sadd.s32 s25, s13  }
.LBB2_1:
0x12: {  	[tilespmem:s3], [sflag:$0x1] =	stream.linear.gather [hbm4b:s4+s3], $0x4E20, $0x38;
	[tilespmem:$0x1DC80] =	vst v63  }
0x13: {  	s28 =	sand.u32 $0x7F00, s3  }
0x14: {  	s29 =	sand.u32 $0x30, s3;
	s30 =	sshrl.u32 s28, $0x2  }
0x15: {  	[tilespmem:s15], [sflag:$0x2] =	stream.linear.gather [hbm4b:s5+s3], $0x4E20, $0x38;
	[tilespmem:$0x1DC80] =	vst v63  }
0x16: {  	s28 =	simm.s32 $0x40;
	s30 =	sor.u32 s29, s30;
	s29 =	simm.s32 $0x0  }
.LBB2_2:
0x17: {  	p1 =	sne.s32 s28, $0x7FC0  }
0x18: {  	[tilespmem:s30+$0xA000] =	vst v1;
	s29 =	sadd.s32 $0x10, s29;
	s30 =	smov.u32 s28;
	s28 =	sadd.s32 $0x40, s28  }
.Ltmp0:
0x19: {  	(pc) =	sbr.rel @p1 .LBB2_2-.Ltmp0, $4  }
0x1a: {  	_ = 	snop  }
0x1b: {  	s30 =	sand.u32 $0x7F00, s30  }
0x1c: {  	s31 =	sand.u32 $0x30, s29;
	s30 =	sshrl.u32 s30, $0x2  }
0x1d: {  	s30 =	sor.u32 s31, s30  }
0x1e: {  	[tilespmem:s30+$0xA000] =	vst v1  }
0x1f: {  	[spmem:s6] =	stream.linear.scatter [tilespmem:s16], [sflag:$0x3], $0x2000, $0x38;
	[tilespmem:$0x1DC80] =	vst v63  }
0x20: {  	_ =	swait.ge [sflag:s17], $0x2000  }
0x21: {  	[sflag:s17] =	ssyncset.done $0x0  }
0x22: {  	[sflag:s17] =	ssyncadd.s32 $0xFFFFE000  }
0x23: {  	[spmem:s7] =	stream.linear.scatter [tilespmem:s16], [sflag:$0x3], $0x2000, $0x38;
	[tilespmem:$0x1DC80] =	vst v63  }
0x24: {  	_ =	swait.ge [sflag:s17], $0x2000  }
0x25: {  	[sflag:s17] =	ssyncset.done $0x0  }
0x26: {  	[sflag:s17] =	ssyncadd.s32 $0xFFFFE000  }
0x27: {  	[spmem:s8] =	stream.linear.scatter [tilespmem:s16], [sflag:$0x3], $0x2000, $0x38;
	[tilespmem:$0x1DC80] =	vst v63  }
0x28: {  	_ =	swait.ge [sflag:s17], $0x2000  }
0x29: {  	[sflag:s17] =	ssyncset.done $0x0  }
0x2a: {  	[sflag:s17] =	ssyncadd.s32 $0xFFFFE000  }
0x2b: {  	[spmem:s9] =	stream.linear.scatter [tilespmem:s16], [sflag:$0x3], $0x2000, $0x38;
	[tilespmem:$0x1DC80] =	vst v63  }
0x2c: {  	_ =	swait.ge [sflag:s17], $0x2000  }
0x2d: {  	[sflag:s17] =	ssyncset.done $0x0  }
0x2e: {  	[sflag:s17] =	ssyncadd.s32 $0xFFFFE000  }
0x2f: {  	[spmem:s10] =	stream.linear.scatter [tilespmem:s16], [sflag:$0x3], $0x1C00, $0x38;
	[tilespmem:$0x1DC80] =	vst v63  }
0x30: {  	_ =	swait.ge [sflag:s17], $0x1C00  }
0x31: {  	[sflag:s17] =	ssyncset.done $0x0  }
0x32: {  	s28 =	simm.s32 @!p0 $0xA000;
	[sflag:s17] =	ssyncadd.s32 $0xFFFFE400  }
0x33: {  	[spmem:s11] =	stream.linear.scatter @!p0 [tilespmem:s28], [sflag:$0x3], $0x800, $0x38;
	[tilespmem:$0x1DC80] =	vst v63  }
0x34: {  	s28 =	simm.s32 @!p0 $0x3  }
0x35: {  	_ =	swait.ge @!p0 [sflag:s28], $0x800  }
0x36: {  	[sflag:s28] =	ssyncset.done @!p0 $0x0  }
0x37: {  	[sflag:s28] =	ssyncadd.s32 @!p0 $0xFFFFF800  }
0x38: {  	[bflag:$0x0] =	sbarrier.arrive $0xFFFF  }
0x39: {  	_ =	swait.ge [sflag:s18], $0x4E20  }
0x3a: {  	[sflag:s18] =	ssyncset.done $0x0  }
0x3b: {  	[sflag:s18] =	ssyncadd.s32 $0xFFFFB1E0  }
0x3c: {  	_ =	swait.ge [sflag:s19], $0x4E20  }
0x3d: {  	[sflag:s19] =	ssyncset.done $0x0  }
0x3e: {  	s29 =	simm.s32 $0x0;
	s28 =	simm.s32 $0x40;
	[sflag:s19] =	ssyncadd.s32 $0xFFFFB1E0  }
.LBB2_4:
0x3f: {  	p1 =	sne.s32 s28, $0x740;
	[tilespmem:s29+$0x4E20] =	vst v0;
	s30 =	smov.u32 s28;
	s28 =	sadd.s32 $0x40, s28  }
.Ltmp1:
0x40: {  	[tilespmem:s29+$0x9E20] =	vst v2;
	(pc) =	sbr.rel @p1 .LBB2_4-.Ltmp1, $2  }
0x41: {  	_ =	sdelay $0x2  }
0x42: {  	s29 =	sshra.s32 s30, $0x2  }
0x43: {  	[tilespmem:s29+$0x4E20] =	vst v0  }
0x44: {  	[tilespmem:s29+$0x9E20] =	vst v2;
	s28 =	simm.s32 $0x0  }
0x45: {  	[tilespmem:s16], [sflag:$0x1] =	stream.indirect.gather [hbm4b:s12+s20], $0x40, s28, s20, $0xb8;
	[tilespmem:$0x1DC80] =	vst v63  }
0x46: {  	s28 =	simm.s32 $0x140  }
0x47: {  	[tilespmem:s21], [sflag:$0x2] =	stream.indirect.gather [hbm4b:s12+s20], $0x40, s28, s20, $0xb8;
	[tilespmem:$0x1DC80] =	vst v63  }
0x48: {  	_ =	swait.ge [sflag:s18], $0x5000  }
0x49: {  	[sflag:s18] =	ssyncset.done $0x0  }
0x4a: {  	s28 =	simm.s32 $0x5000;
	[sflag:s18] =	ssyncadd.s32 $0xFFFFB000  }
0x4b: {  	[spmem:s2] =	stream.indirect.scatter.add.f32 [tilespmem:s16], [sflag:$0x3], $0x40, s28, s20, $0xb8;
	[tilespmem:$0x1DC80] =	vst v63  }
0x4c: {  	_ =	swait.ge [sflag:s17], $0x5000  }
0x4d: {  	[sflag:s17] =	ssyncset.done $0x0  }
0x4e: {  	s28 =	simm.s32 $0x280;
	[sflag:s17] =	ssyncadd.s32 $0xFFFFB000  }
0x4f: {  	[tilespmem:s16], [sflag:$0x1] =	stream.indirect.gather [hbm4b:s12+s20], $0x40, s28, s20, $0xb8;
	[tilespmem:$0x1DC80] =	vst v63  }
0x50: {  	_ =	swait.ge [sflag:s19], $0x5000  }
0x51: {  	[sflag:s19] =	ssyncset.done $0x0  }
0x52: {  	s28 =	simm.s32 $0x5140;
	[sflag:s19] =	ssyncadd.s32 $0xFFFFB000  }
0x53: {  	[spmem:s2] =	stream.indirect.scatter.add.f32 [tilespmem:s21], [sflag:$0x3], $0x40, s28, s20, $0xb8;
	[tilespmem:$0x1DC80] =	vst v63  }
0x54: {  	_ =	swait.ge [sflag:s17], $0x5000  }
0x55: {  	s29 =	simm.s32 $0x1400;
	s28 =	simm.s32 $0x280;
	[sflag:s17] =	ssyncset.done $0x0  }
.LBB2_6:
0x56: {  	s30 =	sadd.s32 $0x140, s28  }
0x57: {  	[sflag:s17] =	ssyncadd.s32 $0xFFFFB000;
	s31 =	smov.u32 s29;
	s0 =	sadd.s32 $0xA00, s29  }
0x58: {  	[tilespmem:s21], [sflag:$0x2] =	stream.indirect.gather [hbm4b:s12+s20], $0x40, s30, s20, $0xb8;
	[tilespmem:$0x1DC80] =	vst v63  }
0x59: {  	p1 =	sne.s32 s29, $0x12C00;
	_ =	swait.ge [sflag:s18], $0x5000  }
0x5a: {  	[sflag:s18] =	ssyncset.done $0x0  }
0x5b: {  	s29 =	sadd.s32 $0x5000, s28;
	[sflag:s18] =	ssyncadd.s32 $0xFFFFB000  }
0x5c: {  	[spmem:s2] =	stream.indirect.scatter.add.f32 [tilespmem:s16], [sflag:$0x3], $0x40, s29, s20, $0xb8;
	[tilespmem:$0x1DC80] =	vst v63  }
0x5d: {  	_ =	swait.ge [sflag:s17], $0x5000  }
0x5e: {  	[sflag:s17] =	ssyncset.done $0x0  }
0x5f: {  	s29 =	sadd.s32 $0x280, s28;
	[sflag:s17] =	ssyncadd.s32 $0xFFFFB000  }
0x60: {  	[tilespmem:s16], [sflag:$0x1] =	stream.indirect.gather [hbm4b:s12+s20], $0x40, s29, s20, $0xb8;
	[tilespmem:$0x1DC80] =	vst v63  }
0x61: {  	_ =	swait.ge [sflag:s19], $0x5000  }
.Ltmp2:
0x62: {  	[sflag:s19] =	ssyncset.done $0x0;
	(pc) =	sbr.rel @p1 .LBB2_6-.Ltmp2, $4  }
0x63: {  	s28 =	sadd.s32 $0x5140, s28;
	[sflag:s19] =	ssyncadd.s32 $0xFFFFB000  }
0x64: {  	[spmem:s2] =	stream.indirect.scatter.add.f32 [tilespmem:s21], [sflag:$0x3], $0x40, s28, s20, $0xb8;
	[tilespmem:$0x1DC80] =	vst v63  }
0x65: {  	_ =	swait.ge [sflag:s17], $0x5000  }
0x66: {  	s29 =	smov.u32 s0;
	s28 =	sshra.s32 s31, $0x2;
	[sflag:s17] =	ssyncset.done $0x0  }
0x67: {  	s0 =	sadd.s32 $0x140, s28;
	[sflag:s17] =	ssyncadd.s32 $0xFFFFB000  }
0x68: {  	[tilespmem:s21], [sflag:$0x2] =	stream.indirect.gather [hbm4b:s12+s20], $0x40, s0, s20, $0xb8;
	[tilespmem:$0x1DC80] =	vst v63  }
0x69: {  	_ =	swait.ge [sflag:s18], $0x5000  }
0x6a: {  	[sflag:s18] =	ssyncset.done $0x0  }
0x6b: {  	s30 =	sadd.s32 $0x5000, s28;
	[sflag:s18] =	ssyncadd.s32 $0xFFFFB000  }
0x6c: {  	[spmem:s2] =	stream.indirect.scatter.add.f32 [tilespmem:s16], [sflag:$0x3], $0x40, s30, s20, $0xb8;
	[tilespmem:$0x1DC80] =	vst v63  }
0x6d: {  	_ =	swait.ge [sflag:s17], $0x5000  }
0x6e: {  	[sflag:s17] =	ssyncset.done $0x0  }
0x6f: {  	s31 =	sadd.s32 $0x280, s28;
	[sflag:s17] =	ssyncadd.s32 $0xFFFFB000  }
0x70: {  	[tilespmem:s16], [sflag:$0x1] =	stream.indirect.gather [hbm4b:s12+s20], $0x40, s31, s20, $0xb8;
	[tilespmem:$0x1DC80] =	vst v63  }
0x71: {  	_ =	swait.ge [sflag:s19], $0x5000  }
0x72: {  	[sflag:s19] =	ssyncset.done $0x0  }
0x73: {  	s29 =	sadd.s32 $0x5140, s28;
	[sflag:s19] =	ssyncadd.s32 $0xFFFFB000  }
0x74: {  	[spmem:s2] =	stream.indirect.scatter.add.f32 [tilespmem:s21], [sflag:$0x3], $0x40, s29, s20, $0xb8;
	[tilespmem:$0x1DC80] =	vst v63  }
0x75: {  	_ =	swait.ge [sflag:s17], $0x5000  }
0x76: {  	[sflag:s17] =	ssyncset.done $0x0  }
0x77: {  	[sflag:s17] =	ssyncadd.s32 $0xFFFFB000  }
0x78: {  	[tilespmem:s21], [sflag:$0x2] =	stream.indirect.gather [hbm4b:s12+s20], $0x40, s22, s20, $0xb8;
	[tilespmem:$0x1DC80] =	vst v63  }
0x79: {  	_ =	swait.ge [sflag:s18], $0x5000  }
0x7a: {  	[sflag:s18] =	ssyncset.done $0x0  }
0x7b: {  	[sflag:s18] =	ssyncadd.s32 $0xFFFFB000  }
0x7c: {  	[spmem:s2] =	stream.indirect.scatter.add.f32 [tilespmem:s16], [sflag:$0x3], $0x40, s23, s20, $0xb8;
	[tilespmem:$0x1DC80] =	vst v63  }
0x7d: {  	_ =	swait.ge [sflag:s17], $0x5000  }
0x7e: {  	[sflag:s17] =	ssyncset.done $0x0  }
0x7f: {  	[sflag:s17] =	ssyncadd.s32 $0xFFFFB000  }
0x80: {  	_ =	swait.ge [sflag:s19], $0x5000  }
0x81: {  	[sflag:s19] =	ssyncset.done $0x0  }
0x82: {  	[sflag:s19] =	ssyncadd.s32 $0xFFFFB000  }
0x83: {  	[spmem:s2] =	stream.indirect.scatter.add.f32 [tilespmem:s21], [sflag:$0x3], $0x40, s24, s20, $0xb8;
	[tilespmem:$0x1DC80] =	vst v63  }
0x84: {  	_ =	swait.ge [sflag:s17], $0x5000  }
0x85: {  	[sflag:s17] =	ssyncset.done $0x0  }
0x86: {  	s30 =	sshll.u32 s1, $0x6;
	[sflag:s17] =	ssyncadd.s32 $0xFFFFB000  }
0x87: {  	s0 =	sor.u32 $0x1C03, s30;
	s31 =	sshrl.u32 s6, $0x3;
	[bflag:$0x0] =	sbarrier.arrive $0xFFFF  }
0x88: {  	[hbm:s25], [sflag:s0] =	dma.local [spmem:s31], $0x1380  }
0x89: {  	_ =	swait.ge [sflag:s17], $0x1380  }
0x8a: {  	s28 =	sadd.s32 @!p0 $0x13800, s13;
	s26 =	sadd.s32 $0x1, s26;
	[sflag:s17] =	ssyncset.done $0x0  }
0x8b: {  	p1 =	sne.s32 s26, s14;
	s29 =	sshrl.u32 @!p0 s11, $0x3;
	[sflag:s17] =	ssyncadd.s32 $0xFFFFEC80  }
0x8c: {  	[hbm:s28], [sflag:s0] =	dma.local @!p0 [spmem:s29], $0x80  }
.Ltmp3:
0x8d: {  	_ = 	snop;
	(pc) =	sbr.rel @p1 .LBB2_1-.Ltmp3, $4  }
0x8e: {  	s0 =	simm.s32 @!p0 $0x3  }
0x8f: {  	_ =	swait.ge @!p0 [sflag:s0], $0x80  }
0x90: {  	[sflag:s0] =	ssyncset.done @!p0 $0x0  }
0x91: {  	[sflag:s0] =	ssyncadd.s32 @!p0 $0xFFFFFF80  }
0x92: {  	_ =	sfence.sel $0x180000  }
0x93: {  	[bflag:$0x0] =	sbarrier.arrive $0xFFFF  }
0x94: {  	_ =	strace $0x90000047  }
0x95: {  	[bflag:$0x2] =	sbarrier.arrive $0xFFFF  }
0x96: {  	p0 =	sne.s32 s1, $0x0;
	s0 =	rddreg [dreg:$0x3]  }
0x97: {  	s0 =	sadd.s32 @!p0 $0x100000, s0  }
0x98: {  	[sflag:s0] =	ssyncadd.tile.s32 @!p0 $0x1;
	_ =	shalt  }
.Lfunc_end2:
_tile_overlayer_lowered:
.L_overlay_start_2:
0x99: {  	(tag) =	ssettag $0x2  }
0x9a: {  	s0 =	rddreg [dreg:$0x0];
	s2 =	stileid.u32  }
0x9b: {  	s1 =	rddreg [dreg:$0x1];
	p0 =	sne.s32 s2, $0x0  }
0x9c: {  	s3 =	rddreg [dreg:$0x2];
	[bflag:$0x3] =	sbarrier.arrive $0xFFFF;
	s2 =	simm.s32 @!p0 $0x1C03  }
0x9d: {  	[timem:s3], [sflag:s2] =	dma.local @!p0 [hbm:s0], s1  }
0x9e: {  	s0 =	simm.s32 @!p0 $0x3  }
0x9f: {  	_ =	swait.ge @!p0 [sflag:s0], s1  }
0xa0: {  	s1 =	ssub.s32 @!p0 $0x0, s1;
	[sflag:s0] =	ssyncset.done @!p0 $0x0  }
0xa1: {  	[sflag:s0] =	ssyncadd.s32 @!p0 s1  }
0xa2: {  	[bflag:$0x3] =	sbarrier.arrive $0xFFFF  }
0xa3: {  	_ =	shalt  }

</sc_bundles>
